<compile_context>
chip_gen: v7x
topology: tpu7x:2x2x1
jax: 0.10.2.dev20260603
libtpu: 0.0.44.dev20260713+nightly
codegen_flags: <defaults>
</compile_context>

<pallas_src>
import functools

import jax
import jax.numpy as jnp
from jax import lax
from jax.experimental import pallas as pl
from jax.experimental.pallas import tpu as pltpu
from jax.experimental.pallas import tpu_sc as plsc

KNN = 30
KPAD = 32
BQ = 512
NSPLIT = 4
NEG = -3.0e38


def _topk_body(shift_ref, xq_ref, keys_ref, idx_ref, xt_ref, scores_ref):
    b = pl.program_id(0)
    xq = xq_ref[0]
    keys = keys_ref[0]
    n = keys.shape[1]
    q = jnp.swapaxes(xq, 0, 1)
    xt_ref[0] = q
    s = lax.dot_general(xq, keys, (((0,), (0,)), ((), ())),
                        preferred_element_type=jnp.float32,
                        precision=lax.Precision.DEFAULT)
    xx = jnp.sum(keys * keys, axis=0)
    qn = jnp.sum(xq * xq, axis=0)
    scores_ref[0] = (2.0 * s - xx[None, :]) - qn[:, None]
    hq = BQ // NSPLIT
    col = lax.broadcasted_iota(jnp.int32, (hq, n), 1)
    rowk = lax.broadcasted_iota(jnp.int32, (KPAD, hq), 0)
    base = b * n + shift_ref[0]

    def halfstep(kk, src, dst, accs):
        outs = []
        for h in range(NSPLIT):
            sc = scores_ref[src, pl.ds(h * hq, hq), :]
            m = jnp.max(sc, axis=1, keepdims=True)
            ch = jnp.min(jnp.where(sc >= m, col, n), axis=1)
            scores_ref[dst, pl.ds(h * hq, hq), :] = jnp.where(
                col == ch[:, None], NEG, sc)
            outs.append(jnp.where(rowk == kk, (ch + base)[None, :], accs[h]))
        return tuple(outs)

    def step(i, accs):
        accs = halfstep(2 * i, 0, 1, accs)
        return halfstep(2 * i + 1, 1, 0, accs)

    accs0 = tuple(jnp.zeros((KPAD, hq), jnp.int32) for _ in range(NSPLIT))
    accs = lax.fori_loop(0, KNN // 2, step, accs0)
    idx_ref[0] = jnp.swapaxes(jnp.concatenate(accs, axis=1), 0, 1)[:, :KNN]


def _topk(x, shift):
    B, D, N = x.shape
    return pl.pallas_call(
        _topk_body,
        grid=(B, N // BQ),
        in_specs=[
            pl.BlockSpec(memory_space=pltpu.SMEM),
            pl.BlockSpec((1, D, BQ), lambda b, i: (b, 0, i)),
            pl.BlockSpec((1, D, N), lambda b, i: (b, 0, 0)),
        ],
        out_specs=[
            pl.BlockSpec((1, BQ, KNN), lambda b, i: (b, i, 0)),
            pl.BlockSpec((1, BQ, D), lambda b, i: (b, i, 0)),
        ],
        out_shape=[
            jax.ShapeDtypeStruct((B, N, KNN), jnp.int32),
            jax.ShapeDtypeStruct((B, N, D), jnp.float32),
        ],
        scratch_shapes=[pltpu.VMEM((2, BQ, N), jnp.float32)],
        compiler_params=pltpu.CompilerParams(
            dimension_semantics=("parallel", "parallel")),
    )(shift, x, x)


CH = 128
NBUF = 3


def _gather(table, idx2d):
    R = idx2d.shape[0] * idx2d.shape[1]
    D = table.shape[1]
    info = plsc.get_sparse_core_info()
    nw = info.num_cores * info.num_subcores
    nch = R // (CH * nw)
    mesh = plsc.VectorSubcoreMesh(core_axis_name="c", subcore_axis_name="s")

    @functools.partial(
        pl.kernel, mesh=mesh,
        compiler_params=pltpu.CompilerParams(use_tc_tiling_on_sc=False),
        out_type=jax.ShapeDtypeStruct((R, D), jnp.float32),
        scratch_types=[
            pltpu.VMEM((nch, CH), jnp.int32),
            pltpu.VMEM((CH, D), jnp.float32),
            pltpu.VMEM((CH, D), jnp.float32),
            pltpu.VMEM((CH, D), jnp.float32),
            pltpu.SemaphoreType.DMA,
            pltpu.SemaphoreType.DMA,
            pltpu.SemaphoreType.DMA,
        ],
    )
    def gk(table_hbm, idx_hbm, out_hbm, idx_v, buf0, buf1, buf2,
           sem0, sem1, sem2):
        wid = lax.axis_index("s") * info.num_cores + lax.axis_index("c")
        pltpu.sync_copy(idx_hbm.at[pl.ds(wid * nch, nch)], idx_v)
        bufs = (buf0, buf1, buf2)
        sems = (sem0, sem1, sem2)

        def fire(j, b):
            pltpu.async_copy(table_hbm.at[idx_v.at[j]], bufs[b], sems[b])

        def drain(j, b):
            pltpu.make_async_copy(table_hbm.at[idx_v.at[j]], bufs[b],
                                  sems[b]).wait()

        for b in range(NBUF):
            fire(b, b)

        @pl.loop(0, nch, step=NBUF)
        def _(g):
            for b in range(NBUF):
                j = g + b
                drain(j, b)
                pltpu.sync_copy(
                    bufs[b], out_hbm.at[pl.ds((wid * nch + j) * CH, CH)])
                nxt = j + NBUF

                @pl.when(nxt < nch)
                def _():
                    fire(nxt, b)

    return gk(table, idx2d)


def kernel(x, k):
    B, D, N = x.shape
    shift = jnp.asarray(k - KNN, jnp.int32).reshape(1)
    halves = []
    hb = B // 4
    for h in range(4):
        xh = lax.slice_in_dim(x, h * hb, (h + 1) * hb, axis=0)
        idx, xt = _topk(xh, shift)
        r = hb * N * KNN
        idx2d = idx.reshape(r // CH, CH)
        feat = _gather(xt.reshape(hb * N, D), idx2d)
        halves.append(feat.reshape(hb, N, KNN, D))
    return jnp.concatenate(halves, axis=0)

# --- scband reference (transcript-rebuilt; emitter-appended) ---
"""Pipeline reference for scband-ldgcnnsegmentor-2731599200340 (READ-ONLY COPY).

The authoritative reference and input builder live on the scoring server;
editing this copy changes nothing except your own understanding.
"""

import jax, jax.numpy as jnp
import numpy as np


def setup_inputs(seed: int = 0) -> dict:
    key = jax.random.key(seed)
    x = jax.random.normal(key, (8, 64, 2048), dtype=jnp.float32)
    return {"x": x, "k": 30}


def reference(x, k):
    # Faithful jax translation of knn() + get_graph_feature() from LDGCNNSegmentor:
    # x: (batch_size, num_dims, num_points)
    B, D, N = x.shape
    K = 30
    xt = jnp.transpose(x, (0, 2, 1))  # (B, N, D)
    # knn(): negative squared euclidean pairwise distances
    inner = -2.0 * jnp.matmul(xt, x)                     # (B, N, N)
    xx = jnp.sum(x ** 2, axis=1, keepdims=True)          # (B, 1, N)
    pairwise_distance = -xx - inner - jnp.transpose(xx, (0, 2, 1))  # (B, N, N)
    _, idx = jax.lax.top_k(pairwise_distance, K)         # (B, N, K) indices of k nearest
    idx = idx + jnp.asarray(k - K, dtype=idx.dtype)
    # get_graph_feature(): gather neighbor features
    idx_base = jnp.arange(B, dtype=idx.dtype).reshape(-1, 1, 1) * N
    idx_flat = (idx + idx_base).reshape(-1)              # (B*N*K,)
    flat = xt.reshape(B * N, D)
    feature = jnp.take(flat, idx_flat, axis=0)           # (B*N*K, D) gather
    feature = feature.reshape(B, N, K, D)
    return feature

if __name__ == "__main__":
    import jax
    _d = setup_inputs()
    print(jax.jit(kernel)(*tuple(_d.values())))

</pallas_src>

<mosaic_0001>
#map = affine_map<(d0, d1) -> (0, 0)>
module attributes {stable_mosaic.version = 14 : i64} {
  func.func @gk(%arg0: i32, %arg1: i32, %arg2: memref<4096x64xf32, #tpu.memory_space<hbm>>, %arg3: memref<960x128xi32, #tpu.memory_space<hbm>>, %arg4: memref<122880x64xf32, #tpu.memory_space<hbm>>, %arg5: memref<30x128xi32, #tpu.memory_space<vmem>>, %arg6: memref<128x64xf32, #tpu.memory_space<vmem>>, %arg7: memref<128x64xf32, #tpu.memory_space<vmem>>, %arg8: memref<128x64xf32, #tpu.memory_space<vmem>>, %arg9: memref<!tpu.dma_semaphore, #tpu.memory_space<semaphore_mem>>, %arg10: memref<!tpu.dma_semaphore, #tpu.memory_space<semaphore_mem>>, %arg11: memref<!tpu.dma_semaphore, #tpu.memory_space<semaphore_mem>>) attributes {dimension_semantics = [#tpu.dimension_semantics<core_parallel>, #tpu.dimension_semantics<subcore_parallel>], iteration_bounds = array<i64: 2, 16>, scalar_prefetch = 0 : i64, scratch_operands = 7 : i64, tpu.core_type = #tpu.core_type<sc_vector_subcore>, window_params = [{transform_indices = #map}, {transform_indices = #map}, {transform_indices = #map}]} {
    %mul3A = arith.constant 2 : i32
    %mul3A_0 = arith.muli %arg1, %mul3A : i32
    %add3A = arith.addi %mul3A_0, %arg0 : i32
    %mul3A_1 = arith.constant 30 : i32
    %mul3A_2 = arith.muli %add3A, %mul3A_1 : i32
    "tpu.region"() ({
      %run_scoped3A = tpu.sem_alloc : memref<!tpu.dma_semaphore, #tpu.memory_space<semaphore_mem>>
      %dma_start3A_27 = arith.constant 0 : i32
      %dma_start3A_28 = tpu.memref_slice %arg3[%mul3A_2, %dma_start3A_27] : memref<960x128xi32, #tpu.memory_space<hbm>> -> memref<30x128xi32, #tpu.memory_space<hbm>>
      %dma_start3A_29 = arith.constant 0 : i32
      %dma_start3A_30 = tpu.memref_slice %arg3[%mul3A_2, %dma_start3A_29] : memref<960x128xi32, #tpu.memory_space<hbm>> -> memref<30x128xi32, #tpu.memory_space<hbm>>
      tpu.enqueue_dma source(%dma_start3A_30 : memref<30x128xi32, #tpu.memory_space<hbm>>) target(%arg5 : memref<30x128xi32, #tpu.memory_space<vmem>>) target_semaphore(%run_scoped3A : memref<!tpu.dma_semaphore, #tpu.memory_space<semaphore_mem>>)
      %dma_wait3A = arith.constant 0 : i32
      %dma_wait3A_31 = tpu.memref_slice %arg3[%mul3A_2, %dma_wait3A] : memref<960x128xi32, #tpu.memory_space<hbm>> -> memref<30x128xi32, #tpu.memory_space<hbm>>
      %dma_wait3A_32 = arith.constant 0 : i32
      %dma_wait3A_33 = tpu.memref_slice %arg3[%mul3A_2, %dma_wait3A_32] : memref<960x128xi32, #tpu.memory_space<hbm>> -> memref<30x128xi32, #tpu.memory_space<hbm>>
      tpu.wait_dma2 semaphore(%run_scoped3A : memref<!tpu.dma_semaphore, #tpu.memory_space<semaphore_mem>>) src(%dma_wait3A_33 : memref<30x128xi32, #tpu.memory_space<hbm>>) dst(%arg5 : memref<30x128xi32, #tpu.memory_space<vmem>>)
      tpu.yield
    }) : () -> ()
    %dma_start3A = arith.constant 0 : i32
    %dma_start3A_3 = arith.constant 0 : i32
    %dma_start3A_4 = tpu.memref_slice %arg5[%dma_start3A, %dma_start3A_3] : memref<30x128xi32, #tpu.memory_space<vmem>> -> memref<1x128xi32, #tpu.memory_space<vmem>>
    %dma_start3A_5 = tpu.memref_squeeze %dma_start3A_4 : memref<1x128xi32, #tpu.memory_space<vmem>> -> memref<128xi32, #tpu.memory_space<vmem>>
    %dma_start3A_6 = arith.constant 0 : i32
    %dma_start3A_7 = arith.constant 0 : i32
    %dma_start3A_8 = tpu.memref_slice %arg2[%dma_start3A_6, %dma_start3A_7] : memref<4096x64xf32, #tpu.memory_space<hbm>> -> memref<4096x64xf32, #tpu.memory_space<hbm>>
    tpu.enqueue_indirect_dma source(%dma_start3A_8 : memref<4096x64xf32, #tpu.memory_space<hbm>>) target(%arg6 : memref<128x64xf32, #tpu.memory_space<vmem>>) offsets(%dma_start3A_5 : memref<128xi32, #tpu.memory_space<vmem>>) semaphore(%arg9 : memref<!tpu.dma_semaphore, #tpu.memory_space<semaphore_mem>>)
    %dma_start3A_9 = arith.constant 1 : i32
    %dma_start3A_10 = arith.constant 0 : i32
    %dma_start3A_11 = tpu.memref_slice %arg5[%dma_start3A_9, %dma_start3A_10] : memref<30x128xi32, #tpu.memory_space<vmem>> -> memref<1x128xi32, #tpu.memory_space<vmem>>
    %dma_start3A_12 = tpu.memref_squeeze %dma_start3A_11 : memref<1x128xi32, #tpu.memory_space<vmem>> -> memref<128xi32, #tpu.memory_space<vmem>>
    %dma_start3A_13 = arith.constant 0 : i32
    %dma_start3A_14 = arith.constant 0 : i32
    %dma_start3A_15 = tpu.memref_slice %arg2[%dma_start3A_13, %dma_start3A_14] : memref<4096x64xf32, #tpu.memory_space<hbm>> -> memref<4096x64xf32, #tpu.memory_space<hbm>>
    tpu.enqueue_indirect_dma source(%dma_start3A_15 : memref<4096x64xf32, #tpu.memory_space<hbm>>) target(%arg7 : memref<128x64xf32, #tpu.memory_space<vmem>>) offsets(%dma_start3A_12 : memref<128xi32, #tpu.memory_space<vmem>>) semaphore(%arg10 : memref<!tpu.dma_semaphore, #tpu.memory_space<semaphore_mem>>)
    %dma_start3A_16 = arith.constant 2 : i32
    %dma_start3A_17 = arith.constant 0 : i32
    %dma_start3A_18 = tpu.memref_slice %arg5[%dma_start3A_16, %dma_start3A_17] : memref<30x128xi32, #tpu.memory_space<vmem>> -> memref<1x128xi32, #tpu.memory_space<vmem>>
    %dma_start3A_19 = tpu.memref_squeeze %dma_start3A_18 : memref<1x128xi32, #tpu.memory_space<vmem>> -> memref<128xi32, #tpu.memory_space<vmem>>
    %dma_start3A_20 = arith.constant 0 : i32
    %dma_start3A_21 = arith.constant 0 : i32
    %dma_start3A_22 = tpu.memref_slice %arg2[%dma_start3A_20, %dma_start3A_21] : memref<4096x64xf32, #tpu.memory_space<hbm>> -> memref<4096x64xf32, #tpu.memory_space<hbm>>
    tpu.enqueue_indirect_dma source(%dma_start3A_22 : memref<4096x64xf32, #tpu.memory_space<hbm>>) target(%arg8 : memref<128x64xf32, #tpu.memory_space<vmem>>) offsets(%dma_start3A_19 : memref<128xi32, #tpu.memory_space<vmem>>) semaphore(%arg11 : memref<!tpu.dma_semaphore, #tpu.memory_space<semaphore_mem>>)
    %scan3A = arith.constant 0 : i32
    %scan3A_23 = arith.constant 10 : i32
    %scan3A_24 = arith.addi %scan3A, %scan3A_23 : i32
    %scan3A_25 = arith.constant 1 : i32
    scf.for %scan3A_27 = %scan3A to %scan3A_24 step %scan3A_25  : i32 {
      %mul3A_28 = arith.constant 3 : i32
      %mul3A_29 = arith.muli %scan3A_27, %mul3A_28 : i32
      %add3A_30 = arith.constant 0 : i32
      %add3A_31 = arith.addi %add3A_30, %mul3A_29 : i32
      %add3A_32 = arith.constant 0 : i32
      %add3A_33 = arith.addi %add3A_31, %add3A_32 : i32
      %dma_wait3A = arith.constant 0 : i32
      %dma_wait3A_34 = tpu.memref_slice %arg5[%add3A_33, %dma_wait3A] : memref<30x128xi32, #tpu.memory_space<vmem>> -> memref<1x128xi32, #tpu.memory_space<vmem>>
      %dma_wait3A_35 = tpu.memref_squeeze %dma_wait3A_34 : memref<1x128xi32, #tpu.memory_space<vmem>> -> memref<128xi32, #tpu.memory_space<vmem>>
      %dma_wait3A_36 = arith.constant 0 : i32
      %dma_wait3A_37 = arith.constant 0 : i32
      %dma_wait3A_38 = tpu.memref_slice %arg2[%dma_wait3A_36, %dma_wait3A_37] : memref<4096x64xf32, #tpu.memory_space<hbm>> -> memref<4096x64xf32, #tpu.memory_space<hbm>>
      tpu.wait_indirect_dma semaphore(%arg9 : memref<!tpu.dma_semaphore, #tpu.memory_space<semaphore_mem>>) src(%dma_wait3A_38 : memref<4096x64xf32, #tpu.memory_space<hbm>>) dst(%arg6 : memref<128x64xf32, #tpu.memory_space<vmem>>)
      %mul3A_39 = arith.constant 30 : i32
      %mul3A_40 = arith.muli %add3A, %mul3A_39 : i32
      %add3A_41 = arith.addi %mul3A_40, %add3A_33 : i32
      %mul3A_42 = arith.constant 128 : i32
      %mul3A_43 = arith.muli %add3A_41, %mul3A_42 : i32
      "tpu.region"() ({
        %run_scoped3A = tpu.sem_alloc : memref<!tpu.dma_semaphore, #tpu.memory_space<semaphore_mem>>
        %dma_start3A_88 = arith.constant 0 : i32
        %dma_start3A_89 = tpu.memref_slice %arg4[%mul3A_43, %dma_start3A_88] : memref<122880x64xf32, #tpu.memory_space<hbm>> -> memref<128x64xf32, #tpu.memory_space<hbm>>
        %dma_start3A_90 = arith.constant 0 : i32
        %dma_start3A_91 = tpu.memref_slice %arg4[%mul3A_43, %dma_start3A_90] : memref<122880x64xf32, #tpu.memory_space<hbm>> -> memref<128x64xf32, #tpu.memory_space<hbm>>
        tpu.enqueue_dma source(%arg6 : memref<128x64xf32, #tpu.memory_space<vmem>>) target(%dma_start3A_91 : memref<128x64xf32, #tpu.memory_space<hbm>>) target_semaphore(%run_scoped3A : memref<!tpu.dma_semaphore, #tpu.memory_space<semaphore_mem>>)
        %dma_wait3A_92 = arith.constant 0 : i32
        %dma_wait3A_93 = tpu.memref_slice %arg4[%mul3A_43, %dma_wait3A_92] : memref<122880x64xf32, #tpu.memory_space<hbm>> -> memref<128x64xf32, #tpu.memory_space<hbm>>
        %dma_wait3A_94 = arith.constant 0 : i32
        %dma_wait3A_95 = tpu.memref_slice %arg4[%mul3A_43, %dma_wait3A_94] : memref<122880x64xf32, #tpu.memory_space<hbm>> -> memref<128x64xf32, #tpu.memory_space<hbm>>
        tpu.wait_dma2 semaphore(%run_scoped3A : memref<!tpu.dma_semaphore, #tpu.memory_space<semaphore_mem>>) src(%arg6 : memref<128x64xf32, #tpu.memory_space<vmem>>) dst(%dma_wait3A_95 : memref<128x64xf32, #tpu.memory_space<hbm>>)
        tpu.yield
      }) : () -> ()
      %add3A_44 = arith.constant 3 : i32
      %add3A_45 = arith.addi %add3A_33, %add3A_44 : i32
      %lt3A = arith.constant 30 : i32
      %lt3A_46 = arith.cmpi slt, %add3A_45, %lt3A : i32
      %convert_element_type3A = arith.extui %lt3A_46 : i1 to i32
      %cond3A = arith.constant 0 : i32
      %cond3A_47 = arith.cmpi ne, %convert_element_type3A, %cond3A : i32
      scf.if %cond3A_47 {
        %dma_start3A_88 = arith.constant 0 : i32
        %dma_start3A_89 = tpu.memref_slice %arg5[%add3A_45, %dma_start3A_88] : memref<30x128xi32, #tpu.memory_space<vmem>> -> memref<1x128xi32, #tpu.memory_space<vmem>>
        %dma_start3A_90 = tpu.memref_squeeze %dma_start3A_89 : memref<1x128xi32, #tpu.memory_space<vmem>> -> memref<128xi32, #tpu.memory_space<vmem>>
        %dma_start3A_91 = arith.constant 0 : i32
        %dma_start3A_92 = arith.constant 0 : i32
        %dma_start3A_93 = tpu.memref_slice %arg2[%dma_start3A_91, %dma_start3A_92] : memref<4096x64xf32, #tpu.memory_space<hbm>> -> memref<4096x64xf32, #tpu.memory_space<hbm>>
        tpu.enqueue_indirect_dma source(%dma_start3A_93 : memref<4096x64xf32, #tpu.memory_space<hbm>>) target(%arg6 : memref<128x64xf32, #tpu.memory_space<vmem>>) offsets(%dma_start3A_90 : memref<128xi32, #tpu.memory_space<vmem>>) semaphore(%arg9 : memref<!tpu.dma_semaphore, #tpu.memory_space<semaphore_mem>>)
      } else {
      }
      %add3A_48 = arith.constant 1 : i32
      %add3A_49 = arith.addi %add3A_31, %add3A_48 : i32
      %dma_wait3A_50 = arith.constant 0 : i32
      %dma_wait3A_51 = tpu.memref_slice %arg5[%add3A_49, %dma_wait3A_50] : memref<30x128xi32, #tpu.memory_space<vmem>> -> memref<1x128xi32, #tpu.memory_space<vmem>>
      %dma_wait3A_52 = tpu.memref_squeeze %dma_wait3A_51 : memref<1x128xi32, #tpu.memory_space<vmem>> -> memref<128xi32, #tpu.memory_space<vmem>>
      %dma_wait3A_53 = arith.constant 0 : i32
      %dma_wait3A_54 = arith.constant 0 : i32
      %dma_wait3A_55 = tpu.memref_slice %arg2[%dma_wait3A_53, %dma_wait3A_54] : memref<4096x64xf32, #tpu.memory_space<hbm>> -> memref<4096x64xf32, #tpu.memory_space<hbm>>
      tpu.wait_indirect_dma semaphore(%arg10 : memref<!tpu.dma_semaphore, #tpu.memory_space<semaphore_mem>>) src(%dma_wait3A_55 : memref<4096x64xf32, #tpu.memory_space<hbm>>) dst(%arg7 : memref<128x64xf32, #tpu.memory_space<vmem>>)
      %mul3A_56 = arith.constant 30 : i32
      %mul3A_57 = arith.muli %add3A, %mul3A_56 : i32
      %add3A_58 = arith.addi %mul3A_57, %add3A_49 : i32
      %mul3A_59 = arith.constant 128 : i32
      %mul3A_60 = arith.muli %add3A_58, %mul3A_59 : i32
      "tpu.region"() ({
        %run_scoped3A = tpu.sem_alloc : memref<!tpu.dma_semaphore, #tpu.memory_space<semaphore_mem>>
        %dma_start3A_88 = arith.constant 0 : i32
        %dma_start3A_89 = tpu.memref_slice %arg4[%mul3A_60, %dma_start3A_88] : memref<122880x64xf32, #tpu.memory_space<hbm>> -> memref<128x64xf32, #tpu.memory_space<hbm>>
        %dma_start3A_90 = arith.constant 0 : i32
        %dma_start3A_91 = tpu.memref_slice %arg4[%mul3A_60, %dma_start3A_90] : memref<122880x64xf32, #tpu.memory_space<hbm>> -> memref<128x64xf32, #tpu.memory_space<hbm>>
        tpu.enqueue_dma source(%arg7 : memref<128x64xf32, #tpu.memory_space<vmem>>) target(%dma_start3A_91 : memref<128x64xf32, #tpu.memory_space<hbm>>) target_semaphore(%run_scoped3A : memref<!tpu.dma_semaphore, #tpu.memory_space<semaphore_mem>>)
        %dma_wait3A_92 = arith.constant 0 : i32
        %dma_wait3A_93 = tpu.memref_slice %arg4[%mul3A_60, %dma_wait3A_92] : memref<122880x64xf32, #tpu.memory_space<hbm>> -> memref<128x64xf32, #tpu.memory_space<hbm>>
        %dma_wait3A_94 = arith.constant 0 : i32
        %dma_wait3A_95 = tpu.memref_slice %arg4[%mul3A_60, %dma_wait3A_94] : memref<122880x64xf32, #tpu.memory_space<hbm>> -> memref<128x64xf32, #tpu.memory_space<hbm>>
        tpu.wait_dma2 semaphore(%run_scoped3A : memref<!tpu.dma_semaphore, #tpu.memory_space<semaphore_mem>>) src(%arg7 : memref<128x64xf32, #tpu.memory_space<vmem>>) dst(%dma_wait3A_95 : memref<128x64xf32, #tpu.memory_space<hbm>>)
        tpu.yield
      }) : () -> ()
      %add3A_61 = arith.constant 3 : i32
      %add3A_62 = arith.addi %add3A_49, %add3A_61 : i32
      %lt3A_63 = arith.constant 30 : i32
      %lt3A_64 = arith.cmpi slt, %add3A_62, %lt3A_63 : i32
      %convert_element_type3A_65 = arith.extui %lt3A_64 : i1 to i32
      %cond3A_66 = arith.constant 0 : i32
      %cond3A_67 = arith.cmpi ne, %convert_element_type3A_65, %cond3A_66 : i32
      scf.if %cond3A_67 {
        %dma_start3A_88 = arith.constant 0 : i32
        %dma_start3A_89 = tpu.memref_slice %arg5[%add3A_62, %dma_start3A_88] : memref<30x128xi32, #tpu.memory_space<vmem>> -> memref<1x128xi32, #tpu.memory_space<vmem>>
        %dma_start3A_90 = tpu.memref_squeeze %dma_start3A_89 : memref<1x128xi32, #tpu.memory_space<vmem>> -> memref<128xi32, #tpu.memory_space<vmem>>
        %dma_start3A_91 = arith.constant 0 : i32
        %dma_start3A_92 = arith.constant 0 : i32
        %dma_start3A_93 = tpu.memref_slice %arg2[%dma_start3A_91, %dma_start3A_92] : memref<4096x64xf32, #tpu.memory_space<hbm>> -> memref<4096x64xf32, #tpu.memory_space<hbm>>
        tpu.enqueue_indirect_dma source(%dma_start3A_93 : memref<4096x64xf32, #tpu.memory_space<hbm>>) target(%arg7 : memref<128x64xf32, #tpu.memory_space<vmem>>) offsets(%dma_start3A_90 : memref<128xi32, #tpu.memory_space<vmem>>) semaphore(%arg10 : memref<!tpu.dma_semaphore, #tpu.memory_space<semaphore_mem>>)
      } else {
      }
      %add3A_68 = arith.constant 2 : i32
      %add3A_69 = arith.addi %add3A_31, %add3A_68 : i32
      %dma_wait3A_70 = arith.constant 0 : i32
      %dma_wait3A_71 = tpu.memref_slice %arg5[%add3A_69, %dma_wait3A_70] : memref<30x128xi32, #tpu.memory_space<vmem>> -> memref<1x128xi32, #tpu.memory_space<vmem>>
      %dma_wait3A_72 = tpu.memref_squeeze %dma_wait3A_71 : memref<1x128xi32, #tpu.memory_space<vmem>> -> memref<128xi32, #tpu.memory_space<vmem>>
      %dma_wait3A_73 = arith.constant 0 : i32
      %dma_wait3A_74 = arith.constant 0 : i32
      %dma_wait3A_75 = tpu.memref_slice %arg2[%dma_wait3A_73, %dma_wait3A_74] : memref<4096x64xf32, #tpu.memory_space<hbm>> -> memref<4096x64xf32, #tpu.memory_space<hbm>>
      tpu.wait_indirect_dma semaphore(%arg11 : memref<!tpu.dma_semaphore, #tpu.memory_space<semaphore_mem>>) src(%dma_wait3A_75 : memref<4096x64xf32, #tpu.memory_space<hbm>>) dst(%arg8 : memref<128x64xf32, #tpu.memory_space<vmem>>)
      %mul3A_76 = arith.constant 30 : i32
      %mul3A_77 = arith.muli %add3A, %mul3A_76 : i32
      %add3A_78 = arith.addi %mul3A_77, %add3A_69 : i32
      %mul3A_79 = arith.constant 128 : i32
      %mul3A_80 = arith.muli %add3A_78, %mul3A_79 : i32
      "tpu.region"() ({
        %run_scoped3A = tpu.sem_alloc : memref<!tpu.dma_semaphore, #tpu.memory_space<semaphore_mem>>
        %dma_start3A_88 = arith.constant 0 : i32
        %dma_start3A_89 = tpu.memref_slice %arg4[%mul3A_80, %dma_start3A_88] : memref<122880x64xf32, #tpu.memory_space<hbm>> -> memref<128x64xf32, #tpu.memory_space<hbm>>
        %dma_start3A_90 = arith.constant 0 : i32
        %dma_start3A_91 = tpu.memref_slice %arg4[%mul3A_80, %dma_start3A_90] : memref<122880x64xf32, #tpu.memory_space<hbm>> -> memref<128x64xf32, #tpu.memory_space<hbm>>
        tpu.enqueue_dma source(%arg8 : memref<128x64xf32, #tpu.memory_space<vmem>>) target(%dma_start3A_91 : memref<128x64xf32, #tpu.memory_space<hbm>>) target_semaphore(%run_scoped3A : memref<!tpu.dma_semaphore, #tpu.memory_space<semaphore_mem>>)
        %dma_wait3A_92 = arith.constant 0 : i32
        %dma_wait3A_93 = tpu.memref_slice %arg4[%mul3A_80, %dma_wait3A_92] : memref<122880x64xf32, #tpu.memory_space<hbm>> -> memref<128x64xf32, #tpu.memory_space<hbm>>
        %dma_wait3A_94 = arith.constant 0 : i32
        %dma_wait3A_95 = tpu.memref_slice %arg4[%mul3A_80, %dma_wait3A_94] : memref<122880x64xf32, #tpu.memory_space<hbm>> -> memref<128x64xf32, #tpu.memory_space<hbm>>
        tpu.wait_dma2 semaphore(%run_scoped3A : memref<!tpu.dma_semaphore, #tpu.memory_space<semaphore_mem>>) src(%arg8 : memref<128x64xf32, #tpu.memory_space<vmem>>) dst(%dma_wait3A_95 : memref<128x64xf32, #tpu.memory_space<hbm>>)
        tpu.yield
      }) : () -> ()
      %add3A_81 = arith.constant 3 : i32
      %add3A_82 = arith.addi %add3A_69, %add3A_81 : i32
      %lt3A_83 = arith.constant 30 : i32
      %lt3A_84 = arith.cmpi slt, %add3A_82, %lt3A_83 : i32
      %convert_element_type3A_85 = arith.extui %lt3A_84 : i1 to i32
      %cond3A_86 = arith.constant 0 : i32
      %cond3A_87 = arith.cmpi ne, %convert_element_type3A_85, %cond3A_86 : i32
      scf.if %cond3A_87 {
        %dma_start3A_88 = arith.constant 0 : i32
        %dma_start3A_89 = tpu.memref_slice %arg5[%add3A_82, %dma_start3A_88] : memref<30x128xi32, #tpu.memory_space<vmem>> -> memref<1x128xi32, #tpu.memory_space<vmem>>
        %dma_start3A_90 = tpu.memref_squeeze %dma_start3A_89 : memref<1x128xi32, #tpu.memory_space<vmem>> -> memref<128xi32, #tpu.memory_space<vmem>>
        %dma_start3A_91 = arith.constant 0 : i32
        %dma_start3A_92 = arith.constant 0 : i32
        %dma_start3A_93 = tpu.memref_slice %arg2[%dma_start3A_91, %dma_start3A_92] : memref<4096x64xf32, #tpu.memory_space<hbm>> -> memref<4096x64xf32, #tpu.memory_space<hbm>>
        tpu.enqueue_indirect_dma source(%dma_start3A_93 : memref<4096x64xf32, #tpu.memory_space<hbm>>) target(%arg8 : memref<128x64xf32, #tpu.memory_space<vmem>>) offsets(%dma_start3A_90 : memref<128xi32, #tpu.memory_space<vmem>>) semaphore(%arg11 : memref<!tpu.dma_semaphore, #tpu.memory_space<semaphore_mem>>)
      } else {
      }
    }
    %scan3A_26 = arith.constant 10 : i32
    return
  }
}

#map = affine_map<(d0, d1) -> (0, 0)>
module attributes {stable_mosaic.version = 14 : i64} {
  func.func @gk(%arg0: i32, %arg1: i32, %arg2: memref<4096x64xf32, #tpu.memory_space<hbm>>, %arg3: memref<960x128xi32, #tpu.memory_space<hbm>>, %arg4: memref<122880x64xf32, #tpu.memory_space<hbm>>, %arg5: memref<30x128xi32, #tpu.memory_space<vmem>>, %arg6: memref<128x64xf32, #tpu.memory_space<vmem>>, %arg7: memref<128x64xf32, #tpu.memory_space<vmem>>, %arg8: memref<128x64xf32, #tpu.memory_space<vmem>>, %arg9: memref<!tpu.dma_semaphore, #tpu.memory_space<semaphore_mem>>, %arg10: memref<!tpu.dma_semaphore, #tpu.memory_space<semaphore_mem>>, %arg11: memref<!tpu.dma_semaphore, #tpu.memory_space<semaphore_mem>>) attributes {dimension_semantics = [#tpu.dimension_semantics<core_parallel>, #tpu.dimension_semantics<subcore_parallel>], iteration_bounds = array<i64: 2, 16>, scalar_prefetch = 0 : i64, scratch_operands = 7 : i64, tpu.core_type = #tpu.core_type<sc_vector_subcore>, window_params = [{transform_indices = #map}, {transform_indices = #map}, {transform_indices = #map}]} {
    %mul3A = arith.constant 2 : i32
    %mul3A_0 = arith.muli %arg1, %mul3A : i32
    %add3A = arith.addi %mul3A_0, %arg0 : i32
    %mul3A_1 = arith.constant 30 : i32
    %mul3A_2 = arith.muli %add3A, %mul3A_1 : i32
    "tpu.region"() ({
      %run_scoped3A = tpu.sem_alloc : memref<!tpu.dma_semaphore, #tpu.memory_space<semaphore_mem>>
      %dma_start3A_27 = arith.constant 0 : i32
      %dma_start3A_28 = tpu.memref_slice %arg3[%mul3A_2, %dma_start3A_27] : memref<960x128xi32, #tpu.memory_space<hbm>> -> memref<30x128xi32, #tpu.memory_space<hbm>>
      %dma_start3A_29 = arith.constant 0 : i32
      %dma_start3A_30 = tpu.memref_slice %arg3[%mul3A_2, %dma_start3A_29] : memref<960x128xi32, #tpu.memory_space<hbm>> -> memref<30x128xi32, #tpu.memory_space<hbm>>
      tpu.enqueue_dma source(%dma_start3A_30 : memref<30x128xi32, #tpu.memory_space<hbm>>) target(%arg5 : memref<30x128xi32, #tpu.memory_space<vmem>>) target_semaphore(%run_scoped3A : memref<!tpu.dma_semaphore, #tpu.memory_space<semaphore_mem>>)
      %dma_wait3A = arith.constant 0 : i32
      %dma_wait3A_31 = tpu.memref_slice %arg3[%mul3A_2, %dma_wait3A] : memref<960x128xi32, #tpu.memory_space<hbm>> -> memref<30x128xi32, #tpu.memory_space<hbm>>
      %dma_wait3A_32 = arith.constant 0 : i32
      %dma_wait3A_33 = tpu.memref_slice %arg3[%mul3A_2, %dma_wait3A_32] : memref<960x128xi32, #tpu.memory_space<hbm>> -> memref<30x128xi32, #tpu.memory_space<hbm>>
      tpu.wait_dma2 semaphore(%run_scoped3A : memref<!tpu.dma_semaphore, #tpu.memory_space<semaphore_mem>>) src(%dma_wait3A_33 : memref<30x128xi32, #tpu.memory_space<hbm>>) dst(%arg5 : memref<30x128xi32, #tpu.memory_space<vmem>>)
      tpu.yield
    }) : () -> ()
    %dma_start3A = arith.constant 0 : i32
    %dma_start3A_3 = arith.constant 0 : i32
    %dma_start3A_4 = tpu.memref_slice %arg5[%dma_start3A, %dma_start3A_3] : memref<30x128xi32, #tpu.memory_space<vmem>> -> memref<1x128xi32, #tpu.memory_space<vmem>>
    %dma_start3A_5 = tpu.memref_squeeze %dma_start3A_4 : memref<1x128xi32, #tpu.memory_space<vmem>> -> memref<128xi32, #tpu.memory_space<vmem>>
    %dma_start3A_6 = arith.constant 0 : i32
    %dma_start3A_7 = arith.constant 0 : i32
    %dma_start3A_8 = tpu.memref_slice %arg2[%dma_start3A_6, %dma_start3A_7] : memref<4096x64xf32, #tpu.memory_space<hbm>> -> memref<4096x64xf32, #tpu.memory_space<hbm>>
    tpu.enqueue_indirect_dma source(%dma_start3A_8 : memref<4096x64xf32, #tpu.memory_space<hbm>>) target(%arg6 : memref<128x64xf32, #tpu.memory_space<vmem>>) offsets(%dma_start3A_5 : memref<128xi32, #tpu.memory_space<vmem>>) semaphore(%arg9 : memref<!tpu.dma_semaphore, #tpu.memory_space<semaphore_mem>>)
    %dma_start3A_9 = arith.constant 1 : i32
    %dma_start3A_10 = arith.constant 0 : i32
    %dma_start3A_11 = tpu.memref_slice %arg5[%dma_start3A_9, %dma_start3A_10] : memref<30x128xi32, #tpu.memory_space<vmem>> -> memref<1x128xi32, #tpu.memory_space<vmem>>
    %dma_start3A_12 = tpu.memref_squeeze %dma_start3A_11 : memref<1x128xi32, #tpu.memory_space<vmem>> -> memref<128xi32, #tpu.memory_space<vmem>>
    %dma_start3A_13 = arith.constant 0 : i32
    %dma_start3A_14 = arith.constant 0 : i32
    %dma_start3A_15 = tpu.memref_slice %arg2[%dma_start3A_13, %dma_start3A_14] : memref<4096x64xf32, #tpu.memory_space<hbm>> -> memref<4096x64xf32, #tpu.memory_space<hbm>>
    tpu.enqueue_indirect_dma source(%dma_start3A_15 : memref<4096x64xf32, #tpu.memory_space<hbm>>) target(%arg7 : memref<128x64xf32, #tpu.memory_space<vmem>>) offsets(%dma_start3A_12 : memref<128xi32, #tpu.memory_space<vmem>>) semaphore(%arg10 : memref<!tpu.dma_semaphore, #tpu.memory_space<semaphore_mem>>)
    %dma_start3A_16 = arith.constant 2 : i32
    %dma_start3A_17 = arith.constant 0 : i32
    %dma_start3A_18 = tpu.memref_slice %arg5[%dma_start3A_16, %dma_start3A_17] : memref<30x128xi32, #tpu.memory_space<vmem>> -> memref<1x128xi32, #tpu.memory_space<vmem>>
    %dma_start3A_19 = tpu.memref_squeeze %dma_start3A_18 : memref<1x128xi32, #tpu.memory_space<vmem>> -> memref<128xi32, #tpu.memory_space<vmem>>
    %dma_start3A_20 = arith.constant 0 : i32
    %dma_start3A_21 = arith.constant 0 : i32
    %dma_start3A_22 = tpu.memref_slice %arg2[%dma_start3A_20, %dma_start3A_21] : memref<4096x64xf32, #tpu.memory_space<hbm>> -> memref<4096x64xf32, #tpu.memory_space<hbm>>
    tpu.enqueue_indirect_dma source(%dma_start3A_22 : memref<4096x64xf32, #tpu.memory_space<hbm>>) target(%arg8 : memref<128x64xf32, #tpu.memory_space<vmem>>) offsets(%dma_start3A_19 : memref<128xi32, #tpu.memory_space<vmem>>) semaphore(%arg11 : memref<!tpu.dma_semaphore, #tpu.memory_space<semaphore_mem>>)
    %scan3A = arith.constant 0 : i32
    %scan3A_23 = arith.constant 10 : i32
    %scan3A_24 = arith.addi %scan3A, %scan3A_23 : i32
    %scan3A_25 = arith.constant 1 : i32
    scf.for %scan3A_27 = %scan3A to %scan3A_24 step %scan3A_25  : i32 {
      %mul3A_28 = arith.constant 3 : i32
      %mul3A_29 = arith.muli %scan3A_27, %mul3A_28 : i32
      %add3A_30 = arith.constant 0 : i32
      %add3A_31 = arith.addi %add3A_30, %mul3A_29 : i32
      %add3A_32 = arith.constant 0 : i32
      %add3A_33 = arith.addi %add3A_31, %add3A_32 : i32
      %dma_wait3A = arith.constant 0 : i32
      %dma_wait3A_34 = tpu.memref_slice %arg5[%add3A_33, %dma_wait3A] : memref<30x128xi32, #tpu.memory_space<vmem>> -> memref<1x128xi32, #tpu.memory_space<vmem>>
      %dma_wait3A_35 = tpu.memref_squeeze %dma_wait3A_34 : memref<1x128xi32, #tpu.memory_space<vmem>> -> memref<128xi32, #tpu.memory_space<vmem>>
      %dma_wait3A_36 = arith.constant 0 : i32
      %dma_wait3A_37 = arith.constant 0 : i32
      %dma_wait3A_38 = tpu.memref_slice %arg2[%dma_wait3A_36, %dma_wait3A_37] : memref<4096x64xf32, #tpu.memory_space<hbm>> -> memref<4096x64xf32, #tpu.memory_space<hbm>>
      tpu.wait_indirect_dma semaphore(%arg9 : memref<!tpu.dma_semaphore, #tpu.memory_space<semaphore_mem>>) src(%dma_wait3A_38 : memref<4096x64xf32, #tpu.memory_space<hbm>>) dst(%arg6 : memref<128x64xf32, #tpu.memory_space<vmem>>)
      %mul3A_39 = arith.constant 30 : i32
      %mul3A_40 = arith.muli %add3A, %mul3A_39 : i32
      %add3A_41 = arith.addi %mul3A_40, %add3A_33 : i32
      %mul3A_42 = arith.constant 128 : i32
      %mul3A_43 = arith.muli %add3A_41, %mul3A_42 : i32
      "tpu.region"() ({
        %run_scoped3A = tpu.sem_alloc : memref<!tpu.dma_semaphore, #tpu.memory_space<semaphore_mem>>
        %dma_start3A_88 = arith.constant 0 : i32
        %dma_start3A_89 = tpu.memref_slice %arg4[%mul3A_43, %dma_start3A_88] : memref<122880x64xf32, #tpu.memory_space<hbm>> -> memref<128x64xf32, #tpu.memory_space<hbm>>
        %dma_start3A_90 = arith.constant 0 : i32
        %dma_start3A_91 = tpu.memref_slice %arg4[%mul3A_43, %dma_start3A_90] : memref<122880x64xf32, #tpu.memory_space<hbm>> -> memref<128x64xf32, #tpu.memory_space<hbm>>
        tpu.enqueue_dma source(%arg6 : memref<128x64xf32, #tpu.memory_space<vmem>>) target(%dma_start3A_91 : memref<128x64xf32, #tpu.memory_space<hbm>>) target_semaphore(%run_scoped3A : memref<!tpu.dma_semaphore, #tpu.memory_space<semaphore_mem>>)
        %dma_wait3A_92 = arith.constant 0 : i32
        %dma_wait3A_93 = tpu.memref_slice %arg4[%mul3A_43, %dma_wait3A_92] : memref<122880x64xf32, #tpu.memory_space<hbm>> -> memref<128x64xf32, #tpu.memory_space<hbm>>
        %dma_wait3A_94 = arith.constant 0 : i32
        %dma_wait3A_95 = tpu.memref_slice %arg4[%mul3A_43, %dma_wait3A_94] : memref<122880x64xf32, #tpu.memory_space<hbm>> -> memref<128x64xf32, #tpu.memory_space<hbm>>
        tpu.wait_dma2 semaphore(%run_scoped3A : memref<!tpu.dma_semaphore, #tpu.memory_space<semaphore_mem>>) src(%arg6 : memref<128x64xf32, #tpu.memory_space<vmem>>) dst(%dma_wait3A_95 : memref<128x64xf32, #tpu.memory_space<hbm>>)
        tpu.yield
      }) : () -> ()
      %add3A_44 = arith.constant 3 : i32
      %add3A_45 = arith.addi %add3A_33, %add3A_44 : i32
      %lt3A = arith.constant 30 : i32
      %lt3A_46 = arith.cmpi slt, %add3A_45, %lt3A : i32
      %convert_element_type3A = arith.extui %lt3A_46 : i1 to i32
      %cond3A = arith.constant 0 : i32
      %cond3A_47 = arith.cmpi ne, %convert_element_type3A, %cond3A : i32
      scf.if %cond3A_47 {
        %dma_start3A_88 = arith.constant 0 : i32
        %dma_start3A_89 = tpu.memref_slice %arg5[%add3A_45, %dma_start3A_88] : memref<30x128xi32, #tpu.memory_space<vmem>> -> memref<1x128xi32, #tpu.memory_space<vmem>>
        %dma_start3A_90 = tpu.memref_squeeze %dma_start3A_89 : memref<1x128xi32, #tpu.memory_space<vmem>> -> memref<128xi32, #tpu.memory_space<vmem>>
        %dma_start3A_91 = arith.constant 0 : i32
        %dma_start3A_92 = arith.constant 0 : i32
        %dma_start3A_93 = tpu.memref_slice %arg2[%dma_start3A_91, %dma_start3A_92] : memref<4096x64xf32, #tpu.memory_space<hbm>> -> memref<4096x64xf32, #tpu.memory_space<hbm>>
        tpu.enqueue_indirect_dma source(%dma_start3A_93 : memref<4096x64xf32, #tpu.memory_space<hbm>>) target(%arg6 : memref<128x64xf32, #tpu.memory_space<vmem>>) offsets(%dma_start3A_90 : memref<128xi32, #tpu.memory_space<vmem>>) semaphore(%arg9 : memref<!tpu.dma_semaphore, #tpu.memory_space<semaphore_mem>>)
      } else {
      }
      %add3A_48 = arith.constant 1 : i32
      %add3A_49 = arith.addi %add3A_31, %add3A_48 : i32
      %dma_wait3A_50 = arith.constant 0 : i32
      %dma_wait3A_51 = tpu.memref_slice %arg5[%add3A_49, %dma_wait3A_50] : memref<30x128xi32, #tpu.memory_space<vmem>> -> memref<1x128xi32, #tpu.memory_space<vmem>>
      %dma_wait3A_52 = tpu.memref_squeeze %dma_wait3A_51 : memref<1x128xi32, #tpu.memory_space<vmem>> -> memref<128xi32, #tpu.memory_space<vmem>>
      %dma_wait3A_53 = arith.constant 0 : i32
      %dma_wait3A_54 = arith.constant 0 : i32
      %dma_wait3A_55 = tpu.memref_slice %arg2[%dma_wait3A_53, %dma_wait3A_54] : memref<4096x64xf32, #tpu.memory_space<hbm>> -> memref<4096x64xf32, #tpu.memory_space<hbm>>
      tpu.wait_indirect_dma semaphore(%arg10 : memref<!tpu.dma_semaphore, #tpu.memory_space<semaphore_mem>>) src(%dma_wait3A_55 : memref<4096x64xf32, #tpu.memory_space<hbm>>) dst(%arg7 : memref<128x64xf32, #tpu.memory_space<vmem>>)
      %mul3A_56 = arith.constant 30 : i32
      %mul3A_57 = arith.muli %add3A, %mul3A_56 : i32
      %add3A_58 = arith.addi %mul3A_57, %add3A_49 : i32
      %mul3A_59 = arith.constant 128 : i32
      %mul3A_60 = arith.muli %add3A_58, %mul3A_59 : i32
      "tpu.region"() ({
        %run_scoped3A = tpu.sem_alloc : memref<!tpu.dma_semaphore, #tpu.memory_space<semaphore_mem>>
        %dma_start3A_88 = arith.constant 0 : i32
        %dma_start3A_89 = tpu.memref_slice %arg4[%mul3A_60, %dma_start3A_88] : memref<122880x64xf32, #tpu.memory_space<hbm>> -> memref<128x64xf32, #tpu.memory_space<hbm>>
        %dma_start3A_90 = arith.constant 0 : i32
        %dma_start3A_91 = tpu.memref_slice %arg4[%mul3A_60, %dma_start3A_90] : memref<122880x64xf32, #tpu.memory_space<hbm>> -> memref<128x64xf32, #tpu.memory_space<hbm>>
        tpu.enqueue_dma source(%arg7 : memref<128x64xf32, #tpu.memory_space<vmem>>) target(%dma_start3A_91 : memref<128x64xf32, #tpu.memory_space<hbm>>) target_semaphore(%run_scoped3A : memref<!tpu.dma_semaphore, #tpu.memory_space<semaphore_mem>>)
        %dma_wait3A_92 = arith.constant 0 : i32
        %dma_wait3A_93 = tpu.memref_slice %arg4[%mul3A_60, %dma_wait3A_92] : memref<122880x64xf32, #tpu.memory_space<hbm>> -> memref<128x64xf32, #tpu.memory_space<hbm>>
        %dma_wait3A_94 = arith.constant 0 : i32
        %dma_wait3A_95 = tpu.memref_slice %arg4[%mul3A_60, %dma_wait3A_94] : memref<122880x64xf32, #tpu.memory_space<hbm>> -> memref<128x64xf32, #tpu.memory_space<hbm>>
        tpu.wait_dma2 semaphore(%run_scoped3A : memref<!tpu.dma_semaphore, #tpu.memory_space<semaphore_mem>>) src(%arg7 : memref<128x64xf32, #tpu.memory_space<vmem>>) dst(%dma_wait3A_95 : memref<128x64xf32, #tpu.memory_space<hbm>>)
        tpu.yield
      }) : () -> ()
      %add3A_61 = arith.constant 3 : i32
      %add3A_62 = arith.addi %add3A_49, %add3A_61 : i32
      %lt3A_63 = arith.constant 30 : i32
      %lt3A_64 = arith.cmpi slt, %add3A_62, %lt3A_63 : i32
      %convert_element_type3A_65 = arith.extui %lt3A_64 : i1 to i32
      %cond3A_66 = arith.constant 0 : i32
      %cond3A_67 = arith.cmpi ne, %convert_element_type3A_65, %cond3A_66 : i32
      scf.if %cond3A_67 {
        %dma_start3A_88 = arith.constant 0 : i32
        %dma_start3A_89 = tpu.memref_slice %arg5[%add3A_62, %dma_start3A_88] : memref<30x128xi32, #tpu.memory_space<vmem>> -> memref<1x128xi32, #tpu.memory_space<vmem>>
        %dma_start3A_90 = tpu.memref_squeeze %dma_start3A_89 : memref<1x128xi32, #tpu.memory_space<vmem>> -> memref<128xi32, #tpu.memory_space<vmem>>
        %dma_start3A_91 = arith.constant 0 : i32
        %dma_start3A_92 = arith.constant 0 : i32
        %dma_start3A_93 = tpu.memref_slice %arg2[%dma_start3A_91, %dma_start3A_92] : memref<4096x64xf32, #tpu.memory_space<hbm>> -> memref<4096x64xf32, #tpu.memory_space<hbm>>
        tpu.enqueue_indirect_dma source(%dma_start3A_93 : memref<4096x64xf32, #tpu.memory_space<hbm>>) target(%arg7 : memref<128x64xf32, #tpu.memory_space<vmem>>) offsets(%dma_start3A_90 : memref<128xi32, #tpu.memory_space<vmem>>) semaphore(%arg10 : memref<!tpu.dma_semaphore, #tpu.memory_space<semaphore_mem>>)
      } else {
      }
      %add3A_68 = arith.constant 2 : i32
      %add3A_69 = arith.addi %add3A_31, %add3A_68 : i32
      %dma_wait3A_70 = arith.constant 0 : i32
      %dma_wait3A_71 = tpu.memref_slice %arg5[%add3A_69, %dma_wait3A_70] : memref<30x128xi32, #tpu.memory_space<vmem>> -> memref<1x128xi32, #tpu.memory_space<vmem>>
      %dma_wait3A_72 = tpu.memref_squeeze %dma_wait3A_71 : memref<1x128xi32, #tpu.memory_space<vmem>> -> memref<128xi32, #tpu.memory_space<vmem>>
      %dma_wait3A_73 = arith.constant 0 : i32
      %dma_wait3A_74 = arith.constant 0 : i32
      %dma_wait3A_75 = tpu.memref_slice %arg2[%dma_wait3A_73, %dma_wait3A_74] : memref<4096x64xf32, #tpu.memory_space<hbm>> -> memref<4096x64xf32, #tpu.memory_space<hbm>>
      tpu.wait_indirect_dma semaphore(%arg11 : memref<!tpu.dma_semaphore, #tpu.memory_space<semaphore_mem>>) src(%dma_wait3A_75 : memref<4096x64xf32, #tpu.memory_space<hbm>>) dst(%arg8 : memref<128x64xf32, #tpu.memory_space<vmem>>)
      %mul3A_76 = arith.constant 30 : i32
      %mul3A_77 = arith.muli %add3A, %mul3A_76 : i32
      %add3A_78 = arith.addi %mul3A_77, %add3A_69 : i32
      %mul3A_79 = arith.constant 128 : i32
      %mul3A_80 = arith.muli %add3A_78, %mul3A_79 : i32
      "tpu.region"() ({
        %run_scoped3A = tpu.sem_alloc : memref<!tpu.dma_semaphore, #tpu.memory_space<semaphore_mem>>
        %dma_start3A_88 = arith.constant 0 : i32
        %dma_start3A_89 = tpu.memref_slice %arg4[%mul3A_80, %dma_start3A_88] : memref<122880x64xf32, #tpu.memory_space<hbm>> -> memref<128x64xf32, #tpu.memory_space<hbm>>
        %dma_start3A_90 = arith.constant 0 : i32
        %dma_start3A_91 = tpu.memref_slice %arg4[%mul3A_80, %dma_start3A_90] : memref<122880x64xf32, #tpu.memory_space<hbm>> -> memref<128x64xf32, #tpu.memory_space<hbm>>
        tpu.enqueue_dma source(%arg8 : memref<128x64xf32, #tpu.memory_space<vmem>>) target(%dma_start3A_91 : memref<128x64xf32, #tpu.memory_space<hbm>>) target_semaphore(%run_scoped3A : memref<!tpu.dma_semaphore, #tpu.memory_space<semaphore_mem>>)
        %dma_wait3A_92 = arith.constant 0 : i32
        %dma_wait3A_93 = tpu.memref_slice %arg4[%mul3A_80, %dma_wait3A_92] : memref<122880x64xf32, #tpu.memory_space<hbm>> -> memref<128x64xf32, #tpu.memory_space<hbm>>
        %dma_wait3A_94 = arith.constant 0 : i32
        %dma_wait3A_95 = tpu.memref_slice %arg4[%mul3A_80, %dma_wait3A_94] : memref<122880x64xf32, #tpu.memory_space<hbm>> -> memref<128x64xf32, #tpu.memory_space<hbm>>
        tpu.wait_dma2 semaphore(%run_scoped3A : memref<!tpu.dma_semaphore, #tpu.memory_space<semaphore_mem>>) src(%arg8 : memref<128x64xf32, #tpu.memory_space<vmem>>) dst(%dma_wait3A_95 : memref<128x64xf32, #tpu.memory_space<hbm>>)
        tpu.yield
      }) : () -> ()
      %add3A_81 = arith.constant 3 : i32
      %add3A_82 = arith.addi %add3A_69, %add3A_81 : i32
      %lt3A_83 = arith.constant 30 : i32
      %lt3A_84 = arith.cmpi slt, %add3A_82, %lt3A_83 : i32
      %convert_element_type3A_85 = arith.extui %lt3A_84 : i1 to i32
      %cond3A_86 = arith.constant 0 : i32
      %cond3A_87 = arith.cmpi ne, %convert_element_type3A_85, %cond3A_86 : i32
      scf.if %cond3A_87 {
        %dma_start3A_88 = arith.constant 0 : i32
        %dma_start3A_89 = tpu.memref_slice %arg5[%add3A_82, %dma_start3A_88] : memref<30x128xi32, #tpu.memory_space<vmem>> -> memref<1x128xi32, #tpu.memory_space<vmem>>
        %dma_start3A_90 = tpu.memref_squeeze %dma_start3A_89 : memref<1x128xi32, #tpu.memory_space<vmem>> -> memref<128xi32, #tpu.memory_space<vmem>>
        %dma_start3A_91 = arith.constant 0 : i32
        %dma_start3A_92 = arith.constant 0 : i32
        %dma_start3A_93 = tpu.memref_slice %arg2[%dma_start3A_91, %dma_start3A_92] : memref<4096x64xf32, #tpu.memory_space<hbm>> -> memref<4096x64xf32, #tpu.memory_space<hbm>>
        tpu.enqueue_indirect_dma source(%dma_start3A_93 : memref<4096x64xf32, #tpu.memory_space<hbm>>) target(%arg8 : memref<128x64xf32, #tpu.memory_space<vmem>>) offsets(%dma_start3A_90 : memref<128xi32, #tpu.memory_space<vmem>>) semaphore(%arg11 : memref<!tpu.dma_semaphore, #tpu.memory_space<semaphore_mem>>)
      } else {
      }
    }
    %scan3A_26 = arith.constant 10 : i32
    return
  }
}

#map = affine_map<(d0, d1) -> (0, 0)>
module attributes {stable_mosaic.version = 14 : i64} {
  func.func @gk(%arg0: i32, %arg1: i32, %arg2: memref<4096x64xf32, #tpu.memory_space<hbm>>, %arg3: memref<960x128xi32, #tpu.memory_space<hbm>>, %arg4: memref<122880x64xf32, #tpu.memory_space<hbm>>, %arg5: memref<30x128xi32, #tpu.memory_space<vmem>>, %arg6: memref<128x64xf32, #tpu.memory_space<vmem>>, %arg7: memref<128x64xf32, #tpu.memory_space<vmem>>, %arg8: memref<128x64xf32, #tpu.memory_space<vmem>>, %arg9: memref<!tpu.dma_semaphore, #tpu.memory_space<semaphore_mem>>, %arg10: memref<!tpu.dma_semaphore, #tpu.memory_space<semaphore_mem>>, %arg11: memref<!tpu.dma_semaphore, #tpu.memory_space<semaphore_mem>>) attributes {dimension_semantics = [#tpu.dimension_semantics<core_parallel>, #tpu.dimension_semantics<subcore_parallel>], iteration_bounds = array<i64: 2, 16>, scalar_prefetch = 0 : i64, scratch_operands = 7 : i64, tpu.core_type = #tpu.core_type<sc_vector_subcore>, window_params = [{transform_indices = #map}, {transform_indices = #map}, {transform_indices = #map}]} {
    %mul3A = arith.constant 2 : i32
    %mul3A_0 = arith.muli %arg1, %mul3A : i32
    %add3A = arith.addi %mul3A_0, %arg0 : i32
    %mul3A_1 = arith.constant 30 : i32
    %mul3A_2 = arith.muli %add3A, %mul3A_1 : i32
    "tpu.region"() ({
      %run_scoped3A = tpu.sem_alloc : memref<!tpu.dma_semaphore, #tpu.memory_space<semaphore_mem>>
      %dma_start3A_27 = arith.constant 0 : i32
      %dma_start3A_28 = tpu.memref_slice %arg3[%mul3A_2, %dma_start3A_27] : memref<960x128xi32, #tpu.memory_space<hbm>> -> memref<30x128xi32, #tpu.memory_space<hbm>>
      %dma_start3A_29 = arith.constant 0 : i32
      %dma_start3A_30 = tpu.memref_slice %arg3[%mul3A_2, %dma_start3A_29] : memref<960x128xi32, #tpu.memory_space<hbm>> -> memref<30x128xi32, #tpu.memory_space<hbm>>
      tpu.enqueue_dma source(%dma_start3A_30 : memref<30x128xi32, #tpu.memory_space<hbm>>) target(%arg5 : memref<30x128xi32, #tpu.memory_space<vmem>>) target_semaphore(%run_scoped3A : memref<!tpu.dma_semaphore, #tpu.memory_space<semaphore_mem>>)
      %dma_wait3A = arith.constant 0 : i32
      %dma_wait3A_31 = tpu.memref_slice %arg3[%mul3A_2, %dma_wait3A] : memref<960x128xi32, #tpu.memory_space<hbm>> -> memref<30x128xi32, #tpu.memory_space<hbm>>
      %dma_wait3A_32 = arith.constant 0 : i32
      %dma_wait3A_33 = tpu.memref_slice %arg3[%mul3A_2, %dma_wait3A_32] : memref<960x128xi32, #tpu.memory_space<hbm>> -> memref<30x128xi32, #tpu.memory_space<hbm>>
      tpu.wait_dma2 semaphore(%run_scoped3A : memref<!tpu.dma_semaphore, #tpu.memory_space<semaphore_mem>>) src(%dma_wait3A_33 : memref<30x128xi32, #tpu.memory_space<hbm>>) dst(%arg5 : memref<30x128xi32, #tpu.memory_space<vmem>>)
      tpu.yield
    }) : () -> ()
    %dma_start3A = arith.constant 0 : i32
    %dma_start3A_3 = arith.constant 0 : i32
    %dma_start3A_4 = tpu.memref_slice %arg5[%dma_start3A, %dma_start3A_3] : memref<30x128xi32, #tpu.memory_space<vmem>> -> memref<1x128xi32, #tpu.memory_space<vmem>>
    %dma_start3A_5 = tpu.memref_squeeze %dma_start3A_4 : memref<1x128xi32, #tpu.memory_space<vmem>> -> memref<128xi32, #tpu.memory_space<vmem>>
    %dma_start3A_6 = arith.constant 0 : i32
    %dma_start3A_7 = arith.constant 0 : i32
    %dma_start3A_8 = tpu.memref_slice %arg2[%dma_start3A_6, %dma_start3A_7] : memref<4096x64xf32, #tpu.memory_space<hbm>> -> memref<4096x64xf32, #tpu.memory_space<hbm>>
    tpu.enqueue_indirect_dma source(%dma_start3A_8 : memref<4096x64xf32, #tpu.memory_space<hbm>>) target(%arg6 : memref<128x64xf32, #tpu.memory_space<vmem>>) offsets(%dma_start3A_5 : memref<128xi32, #tpu.memory_space<vmem>>) semaphore(%arg9 : memref<!tpu.dma_semaphore, #tpu.memory_space<semaphore_mem>>)
    %dma_start3A_9 = arith.constant 1 : i32
    %dma_start3A_10 = arith.constant 0 : i32
    %dma_start3A_11 = tpu.memref_slice %arg5[%dma_start3A_9, %dma_start3A_10] : memref<30x128xi32, #tpu.memory_space<vmem>> -> memref<1x128xi32, #tpu.memory_space<vmem>>
    %dma_start3A_12 = tpu.memref_squeeze %dma_start3A_11 : memref<1x128xi32, #tpu.memory_space<vmem>> -> memref<128xi32, #tpu.memory_space<vmem>>
    %dma_start3A_13 = arith.constant 0 : i32
    %dma_start3A_14 = arith.constant 0 : i32
    %dma_start3A_15 = tpu.memref_slice %arg2[%dma_start3A_13, %dma_start3A_14] : memref<4096x64xf32, #tpu.memory_space<hbm>> -> memref<4096x64xf32, #tpu.memory_space<hbm>>
    tpu.enqueue_indirect_dma source(%dma_start3A_15 : memref<4096x64xf32, #tpu.memory_space<hbm>>) target(%arg7 : memref<128x64xf32, #tpu.memory_space<vmem>>) offsets(%dma_start3A_12 : memref<128xi32, #tpu.memory_space<vmem>>) semaphore(%arg10 : memref<!tpu.dma_semaphore, #tpu.memory_space<semaphore_mem>>)
    %dma_start3A_16 = arith.constant 2 : i32
    %dma_start3A_17 = arith.constant 0 : i32
    %dma_start3A_18 = tpu.memref_slice %arg5[%dma_start3A_16, %dma_start3A_17] : memref<30x128xi32, #tpu.memory_space<vmem>> -> memref<1x128xi32, #tpu.memory_space<vmem>>
    %dma_start3A_19 = tpu.memref_squeeze %dma_start3A_18 : memref<1x128xi32, #tpu.memory_space<vmem>> -> memref<128xi32, #tpu.memory_space<vmem>>
    %dma_start3A_20 = arith.constant 0 : i32
    %dma_start3A_21 = arith.constant 0 : i32
    %dma_start3A_22 = tpu.memref_slice %arg2[%dma_start3A_20, %dma_start3A_21] : memref<4096x64xf32, #tpu.memory_space<hbm>> -> memref<4096x64xf32, #tpu.memory_space<hbm>>
    tpu.enqueue_indirect_dma source(%dma_start3A_22 : memref<4096x64xf32, #tpu.memory_space<hbm>>) target(%arg8 : memref<128x64xf32, #tpu.memory_space<vmem>>) offsets(%dma_start3A_19 : memref<128xi32, #tpu.memory_space<vmem>>) semaphore(%arg11 : memref<!tpu.dma_semaphore, #tpu.memory_space<semaphore_mem>>)
    %scan3A = arith.constant 0 : i32
    %scan3A_23 = arith.constant 10 : i32
    %scan3A_24 = arith.addi %scan3A, %scan3A_23 : i32
    %scan3A_25 = arith.constant 1 : i32
    scf.for %scan3A_27 = %scan3A to %scan3A_24 step %scan3A_25  : i32 {
      %mul3A_28 = arith.constant 3 : i32
      %mul3A_29 = arith.muli %scan3A_27, %mul3A_28 : i32
      %add3A_30 = arith.constant 0 : i32
      %add3A_31 = arith.addi %add3A_30, %mul3A_29 : i32
      %add3A_32 = arith.constant 0 : i32
      %add3A_33 = arith.addi %add3A_31, %add3A_32 : i32
      %dma_wait3A = arith.constant 0 : i32
      %dma_wait3A_34 = tpu.memref_slice %arg5[%add3A_33, %dma_wait3A] : memref<30x128xi32, #tpu.memory_space<vmem>> -> memref<1x128xi32, #tpu.memory_space<vmem>>
      %dma_wait3A_35 = tpu.memref_squeeze %dma_wait3A_34 : memref<1x128xi32, #tpu.memory_space<vmem>> -> memref<128xi32, #tpu.memory_space<vmem>>
      %dma_wait3A_36 = arith.constant 0 : i32
      %dma_wait3A_37 = arith.constant 0 : i32
      %dma_wait3A_38 = tpu.memref_slice %arg2[%dma_wait3A_36, %dma_wait3A_37] : memref<4096x64xf32, #tpu.memory_space<hbm>> -> memref<4096x64xf32, #tpu.memory_space<hbm>>
      tpu.wait_indirect_dma semaphore(%arg9 : memref<!tpu.dma_semaphore, #tpu.memory_space<semaphore_mem>>) src(%dma_wait3A_38 : memref<4096x64xf32, #tpu.memory_space<hbm>>) dst(%arg6 : memref<128x64xf32, #tpu.memory_space<vmem>>)
      %mul3A_39 = arith.constant 30 : i32
      %mul3A_40 = arith.muli %add3A, %mul3A_39 : i32
      %add3A_41 = arith.addi %mul3A_40, %add3A_33 : i32
      %mul3A_42 = arith.constant 128 : i32
      %mul3A_43 = arith.muli %add3A_41, %mul3A_42 : i32
      "tpu.region"() ({
        %run_scoped3A = tpu.sem_alloc : memref<!tpu.dma_semaphore, #tpu.memory_space<semaphore_mem>>
        %dma_start3A_88 = arith.constant 0 : i32
        %dma_start3A_89 = tpu.memref_slice %arg4[%mul3A_43, %dma_start3A_88] : memref<122880x64xf32, #tpu.memory_space<hbm>> -> memref<128x64xf32, #tpu.memory_space<hbm>>
        %dma_start3A_90 = arith.constant 0 : i32
        %dma_start3A_91 = tpu.memref_slice %arg4[%mul3A_43, %dma_start3A_90] : memref<122880x64xf32, #tpu.memory_space<hbm>> -> memref<128x64xf32, #tpu.memory_space<hbm>>
        tpu.enqueue_dma source(%arg6 : memref<128x64xf32, #tpu.memory_space<vmem>>) target(%dma_start3A_91 : memref<128x64xf32, #tpu.memory_space<hbm>>) target_semaphore(%run_scoped3A : memref<!tpu.dma_semaphore, #tpu.memory_space<semaphore_mem>>)
        %dma_wait3A_92 = arith.constant 0 : i32
        %dma_wait3A_93 = tpu.memref_slice %arg4[%mul3A_43, %dma_wait3A_92] : memref<122880x64xf32, #tpu.memory_space<hbm>> -> memref<128x64xf32, #tpu.memory_space<hbm>>
        %dma_wait3A_94 = arith.constant 0 : i32
        %dma_wait3A_95 = tpu.memref_slice %arg4[%mul3A_43, %dma_wait3A_94] : memref<122880x64xf32, #tpu.memory_space<hbm>> -> memref<128x64xf32, #tpu.memory_space<hbm>>
        tpu.wait_dma2 semaphore(%run_scoped3A : memref<!tpu.dma_semaphore, #tpu.memory_space<semaphore_mem>>) src(%arg6 : memref<128x64xf32, #tpu.memory_space<vmem>>) dst(%dma_wait3A_95 : memref<128x64xf32, #tpu.memory_space<hbm>>)
        tpu.yield
      }) : () -> ()
      %add3A_44 = arith.constant 3 : i32
      %add3A_45 = arith.addi %add3A_33, %add3A_44 : i32
      %lt3A = arith.constant 30 : i32
      %lt3A_46 = arith.cmpi slt, %add3A_45, %lt3A : i32
      %convert_element_type3A = arith.extui %lt3A_46 : i1 to i32
      %cond3A = arith.constant 0 : i32
      %cond3A_47 = arith.cmpi ne, %convert_element_type3A, %cond3A : i32
      scf.if %cond3A_47 {
        %dma_start3A_88 = arith.constant 0 : i32
        %dma_start3A_89 = tpu.memref_slice %arg5[%add3A_45, %dma_start3A_88] : memref<30x128xi32, #tpu.memory_space<vmem>> -> memref<1x128xi32, #tpu.memory_space<vmem>>
        %dma_start3A_90 = tpu.memref_squeeze %dma_start3A_89 : memref<1x128xi32, #tpu.memory_space<vmem>> -> memref<128xi32, #tpu.memory_space<vmem>>
        %dma_start3A_91 = arith.constant 0 : i32
        %dma_start3A_92 = arith.constant 0 : i32
        %dma_start3A_93 = tpu.memref_slice %arg2[%dma_start3A_91, %dma_start3A_92] : memref<4096x64xf32, #tpu.memory_space<hbm>> -> memref<4096x64xf32, #tpu.memory_space<hbm>>
        tpu.enqueue_indirect_dma source(%dma_start3A_93 : memref<4096x64xf32, #tpu.memory_space<hbm>>) target(%arg6 : memref<128x64xf32, #tpu.memory_space<vmem>>) offsets(%dma_start3A_90 : memref<128xi32, #tpu.memory_space<vmem>>) semaphore(%arg9 : memref<!tpu.dma_semaphore, #tpu.memory_space<semaphore_mem>>)
      } else {
      }
      %add3A_48 = arith.constant 1 : i32
      %add3A_49 = arith.addi %add3A_31, %add3A_48 : i32
      %dma_wait3A_50 = arith.constant 0 : i32
      %dma_wait3A_51 = tpu.memref_slice %arg5[%add3A_49, %dma_wait3A_50] : memref<30x128xi32, #tpu.memory_space<vmem>> -> memref<1x128xi32, #tpu.memory_space<vmem>>
      %dma_wait3A_52 = tpu.memref_squeeze %dma_wait3A_51 : memref<1x128xi32, #tpu.memory_space<vmem>> -> memref<128xi32, #tpu.memory_space<vmem>>
      %dma_wait3A_53 = arith.constant 0 : i32
      %dma_wait3A_54 = arith.constant 0 : i32
      %dma_wait3A_55 = tpu.memref_slice %arg2[%dma_wait3A_53, %dma_wait3A_54] : memref<4096x64xf32, #tpu.memory_space<hbm>> -> memref<4096x64xf32, #tpu.memory_space<hbm>>
      tpu.wait_indirect_dma semaphore(%arg10 : memref<!tpu.dma_semaphore, #tpu.memory_space<semaphore_mem>>) src(%dma_wait3A_55 : memref<4096x64xf32, #tpu.memory_space<hbm>>) dst(%arg7 : memref<128x64xf32, #tpu.memory_space<vmem>>)
      %mul3A_56 = arith.constant 30 : i32
      %mul3A_57 = arith.muli %add3A, %mul3A_56 : i32
      %add3A_58 = arith.addi %mul3A_57, %add3A_49 : i32
      %mul3A_59 = arith.constant 128 : i32
      %mul3A_60 = arith.muli %add3A_58, %mul3A_59 : i32
      "tpu.region"() ({
        %run_scoped3A = tpu.sem_alloc : memref<!tpu.dma_semaphore, #tpu.memory_space<semaphore_mem>>
        %dma_start3A_88 = arith.constant 0 : i32
        %dma_start3A_89 = tpu.memref_slice %arg4[%mul3A_60, %dma_start3A_88] : memref<122880x64xf32, #tpu.memory_space<hbm>> -> memref<128x64xf32, #tpu.memory_space<hbm>>
        %dma_start3A_90 = arith.constant 0 : i32
        %dma_start3A_91 = tpu.memref_slice %arg4[%mul3A_60, %dma_start3A_90] : memref<122880x64xf32, #tpu.memory_space<hbm>> -> memref<128x64xf32, #tpu.memory_space<hbm>>
        tpu.enqueue_dma source(%arg7 : memref<128x64xf32, #tpu.memory_space<vmem>>) target(%dma_start3A_91 : memref<128x64xf32, #tpu.memory_space<hbm>>) target_semaphore(%run_scoped3A : memref<!tpu.dma_semaphore, #tpu.memory_space<semaphore_mem>>)
        %dma_wait3A_92 = arith.constant 0 : i32
        %dma_wait3A_93 = tpu.memref_slice %arg4[%mul3A_60, %dma_wait3A_92] : memref<122880x64xf32, #tpu.memory_space<hbm>> -> memref<128x64xf32, #tpu.memory_space<hbm>>
        %dma_wait3A_94 = arith.constant 0 : i32
        %dma_wait3A_95 = tpu.memref_slice %arg4[%mul3A_60, %dma_wait3A_94] : memref<122880x64xf32, #tpu.memory_space<hbm>> -> memref<128x64xf32, #tpu.memory_space<hbm>>
        tpu.wait_dma2 semaphore(%run_scoped3A : memref<!tpu.dma_semaphore, #tpu.memory_space<semaphore_mem>>) src(%arg7 : memref<128x64xf32, #tpu.memory_space<vmem>>) dst(%dma_wait3A_95 : memref<128x64xf32, #tpu.memory_space<hbm>>)
        tpu.yield
      }) : () -> ()
      %add3A_61 = arith.constant 3 : i32
      %add3A_62 = arith.addi %add3A_49, %add3A_61 : i32
      %lt3A_63 = arith.constant 30 : i32
      %lt3A_64 = arith.cmpi slt, %add3A_62, %lt3A_63 : i32
      %convert_element_type3A_65 = arith.extui %lt3A_64 : i1 to i32
      %cond3A_66 = arith.constant 0 : i32
      %cond3A_67 = arith.cmpi ne, %convert_element_type3A_65, %cond3A_66 : i32
      scf.if %cond3A_67 {
        %dma_start3A_88 = arith.constant 0 : i32
        %dma_start3A_89 = tpu.memref_slice %arg5[%add3A_62, %dma_start3A_88] : memref<30x128xi32, #tpu.memory_space<vmem>> -> memref<1x128xi32, #tpu.memory_space<vmem>>
        %dma_start3A_90 = tpu.memref_squeeze %dma_start3A_89 : memref<1x128xi32, #tpu.memory_space<vmem>> -> memref<128xi32, #tpu.memory_space<vmem>>
        %dma_start3A_91 = arith.constant 0 : i32
        %dma_start3A_92 = arith.constant 0 : i32
        %dma_start3A_93 = tpu.memref_slice %arg2[%dma_start3A_91, %dma_start3A_92] : memref<4096x64xf32, #tpu.memory_space<hbm>> -> memref<4096x64xf32, #tpu.memory_space<hbm>>
        tpu.enqueue_indirect_dma source(%dma_start3A_93 : memref<4096x64xf32, #tpu.memory_space<hbm>>) target(%arg7 : memref<128x64xf32, #tpu.memory_space<vmem>>) offsets(%dma_start3A_90 : memref<128xi32, #tpu.memory_space<vmem>>) semaphore(%arg10 : memref<!tpu.dma_semaphore, #tpu.memory_space<semaphore_mem>>)
      } else {
      }
      %add3A_68 = arith.constant 2 : i32
      %add3A_69 = arith.addi %add3A_31, %add3A_68 : i32
      %dma_wait3A_70 = arith.constant 0 : i32
      %dma_wait3A_71 = tpu.memref_slice %arg5[%add3A_69, %dma_wait3A_70] : memref<30x128xi32, #tpu.memory_space<vmem>> -> memref<1x128xi32, #tpu.memory_space<vmem>>
      %dma_wait3A_72 = tpu.memref_squeeze %dma_wait3A_71 : memref<1x128xi32, #tpu.memory_space<vmem>> -> memref<128xi32, #tpu.memory_space<vmem>>
      %dma_wait3A_73 = arith.constant 0 : i32
      %dma_wait3A_74 = arith.constant 0 : i32
      %dma_wait3A_75 = tpu.memref_slice %arg2[%dma_wait3A_73, %dma_wait3A_74] : memref<4096x64xf32, #tpu.memory_space<hbm>> -> memref<4096x64xf32, #tpu.memory_space<hbm>>
      tpu.wait_indirect_dma semaphore(%arg11 : memref<!tpu.dma_semaphore, #tpu.memory_space<semaphore_mem>>) src(%dma_wait3A_75 : memref<4096x64xf32, #tpu.memory_space<hbm>>) dst(%arg8 : memref<128x64xf32, #tpu.memory_space<vmem>>)
      %mul3A_76 = arith.constant 30 : i32
      %mul3A_77 = arith.muli %add3A, %mul3A_76 : i32
      %add3A_78 = arith.addi %mul3A_77, %add3A_69 : i32
      %mul3A_79 = arith.constant 128 : i32
      %mul3A_80 = arith.muli %add3A_78, %mul3A_79 : i32
      "tpu.region"() ({
        %run_scoped3A = tpu.sem_alloc : memref<!tpu.dma_semaphore, #tpu.memory_space<semaphore_mem>>
        %dma_start3A_88 = arith.constant 0 : i32
        %dma_start3A_89 = tpu.memref_slice %arg4[%mul3A_80, %dma_start3A_88] : memref<122880x64xf32, #tpu.memory_space<hbm>> -> memref<128x64xf32, #tpu.memory_space<hbm>>
        %dma_start3A_90 = arith.constant 0 : i32
        %dma_start3A_91 = tpu.memref_slice %arg4[%mul3A_80, %dma_start3A_90] : memref<122880x64xf32, #tpu.memory_space<hbm>> -> memref<128x64xf32, #tpu.memory_space<hbm>>
        tpu.enqueue_dma source(%arg8 : memref<128x64xf32, #tpu.memory_space<vmem>>) target(%dma_start3A_91 : memref<128x64xf32, #tpu.memory_space<hbm>>) target_semaphore(%run_scoped3A : memref<!tpu.dma_semaphore, #tpu.memory_space<semaphore_mem>>)
        %dma_wait3A_92 = arith.constant 0 : i32
        %dma_wait3A_93 = tpu.memref_slice %arg4[%mul3A_80, %dma_wait3A_92] : memref<122880x64xf32, #tpu.memory_space<hbm>> -> memref<128x64xf32, #tpu.memory_space<hbm>>
        %dma_wait3A_94 = arith.constant 0 : i32
        %dma_wait3A_95 = tpu.memref_slice %arg4[%mul3A_80, %dma_wait3A_94] : memref<122880x64xf32, #tpu.memory_space<hbm>> -> memref<128x64xf32, #tpu.memory_space<hbm>>
        tpu.wait_dma2 semaphore(%run_scoped3A : memref<!tpu.dma_semaphore, #tpu.memory_space<semaphore_mem>>) src(%arg8 : memref<128x64xf32, #tpu.memory_space<vmem>>) dst(%dma_wait3A_95 : memref<128x64xf32, #tpu.memory_space<hbm>>)
        tpu.yield
      }) : () -> ()
      %add3A_81 = arith.constant 3 : i32
      %add3A_82 = arith.addi %add3A_69, %add3A_81 : i32
      %lt3A_83 = arith.constant 30 : i32
      %lt3A_84 = arith.cmpi slt, %add3A_82, %lt3A_83 : i32
      %convert_element_type3A_85 = arith.extui %lt3A_84 : i1 to i32
      %cond3A_86 = arith.constant 0 : i32
      %cond3A_87 = arith.cmpi ne, %convert_element_type3A_85, %cond3A_86 : i32
      scf.if %cond3A_87 {
        %dma_start3A_88 = arith.constant 0 : i32
        %dma_start3A_89 = tpu.memref_slice %arg5[%add3A_82, %dma_start3A_88] : memref<30x128xi32, #tpu.memory_space<vmem>> -> memref<1x128xi32, #tpu.memory_space<vmem>>
        %dma_start3A_90 = tpu.memref_squeeze %dma_start3A_89 : memref<1x128xi32, #tpu.memory_space<vmem>> -> memref<128xi32, #tpu.memory_space<vmem>>
        %dma_start3A_91 = arith.constant 0 : i32
        %dma_start3A_92 = arith.constant 0 : i32
        %dma_start3A_93 = tpu.memref_slice %arg2[%dma_start3A_91, %dma_start3A_92] : memref<4096x64xf32, #tpu.memory_space<hbm>> -> memref<4096x64xf32, #tpu.memory_space<hbm>>
        tpu.enqueue_indirect_dma source(%dma_start3A_93 : memref<4096x64xf32, #tpu.memory_space<hbm>>) target(%arg8 : memref<128x64xf32, #tpu.memory_space<vmem>>) offsets(%dma_start3A_90 : memref<128xi32, #tpu.memory_space<vmem>>) semaphore(%arg11 : memref<!tpu.dma_semaphore, #tpu.memory_space<semaphore_mem>>)
      } else {
      }
    }
    %scan3A_26 = arith.constant 10 : i32
    return
  }
}

#map = affine_map<(d0, d1) -> (0, 0)>
module attributes {stable_mosaic.version = 14 : i64} {
  func.func @gk(%arg0: i32, %arg1: i32, %arg2: memref<4096x64xf32, #tpu.memory_space<hbm>>, %arg3: memref<960x128xi32, #tpu.memory_space<hbm>>, %arg4: memref<122880x64xf32, #tpu.memory_space<hbm>>, %arg5: memref<30x128xi32, #tpu.memory_space<vmem>>, %arg6: memref<128x64xf32, #tpu.memory_space<vmem>>, %arg7: memref<128x64xf32, #tpu.memory_space<vmem>>, %arg8: memref<128x64xf32, #tpu.memory_space<vmem>>, %arg9: memref<!tpu.dma_semaphore, #tpu.memory_space<semaphore_mem>>, %arg10: memref<!tpu.dma_semaphore, #tpu.memory_space<semaphore_mem>>, %arg11: memref<!tpu.dma_semaphore, #tpu.memory_space<semaphore_mem>>) attributes {dimension_semantics = [#tpu.dimension_semantics<core_parallel>, #tpu.dimension_semantics<subcore_parallel>], iteration_bounds = array<i64: 2, 16>, scalar_prefetch = 0 : i64, scratch_operands = 7 : i64, tpu.core_type = #tpu.core_type<sc_vector_subcore>, window_params = [{transform_indices = #map}, {transform_indices = #map}, {transform_indices = #map}]} {
    %mul3A = arith.constant 2 : i32
    %mul3A_0 = arith.muli %arg1, %mul3A : i32
    %add3A = arith.addi %mul3A_0, %arg0 : i32
    %mul3A_1 = arith.constant 30 : i32
    %mul3A_2 = arith.muli %add3A, %mul3A_1 : i32
    "tpu.region"() ({
      %run_scoped3A = tpu.sem_alloc : memref<!tpu.dma_semaphore, #tpu.memory_space<semaphore_mem>>
      %dma_start3A_27 = arith.constant 0 : i32
      %dma_start3A_28 = tpu.memref_slice %arg3[%mul3A_2, %dma_start3A_27] : memref<960x128xi32, #tpu.memory_space<hbm>> -> memref<30x128xi32, #tpu.memory_space<hbm>>
      %dma_start3A_29 = arith.constant 0 : i32
      %dma_start3A_30 = tpu.memref_slice %arg3[%mul3A_2, %dma_start3A_29] : memref<960x128xi32, #tpu.memory_space<hbm>> -> memref<30x128xi32, #tpu.memory_space<hbm>>
      tpu.enqueue_dma source(%dma_start3A_30 : memref<30x128xi32, #tpu.memory_space<hbm>>) target(%arg5 : memref<30x128xi32, #tpu.memory_space<vmem>>) target_semaphore(%run_scoped3A : memref<!tpu.dma_semaphore, #tpu.memory_space<semaphore_mem>>)
      %dma_wait3A = arith.constant 0 : i32
      %dma_wait3A_31 = tpu.memref_slice %arg3[%mul3A_2, %dma_wait3A] : memref<960x128xi32, #tpu.memory_space<hbm>> -> memref<30x128xi32, #tpu.memory_space<hbm>>
      %dma_wait3A_32 = arith.constant 0 : i32
      %dma_wait3A_33 = tpu.memref_slice %arg3[%mul3A_2, %dma_wait3A_32] : memref<960x128xi32, #tpu.memory_space<hbm>> -> memref<30x128xi32, #tpu.memory_space<hbm>>
      tpu.wait_dma2 semaphore(%run_scoped3A : memref<!tpu.dma_semaphore, #tpu.memory_space<semaphore_mem>>) src(%dma_wait3A_33 : memref<30x128xi32, #tpu.memory_space<hbm>>) dst(%arg5 : memref<30x128xi32, #tpu.memory_space<vmem>>)
      tpu.yield
    }) : () -> ()
    %dma_start3A = arith.constant 0 : i32
    %dma_start3A_3 = arith.constant 0 : i32
    %dma_start3A_4 = tpu.memref_slice %arg5[%dma_start3A, %dma_start3A_3] : memref<30x128xi32, #tpu.memory_space<vmem>> -> memref<1x128xi32, #tpu.memory_space<vmem>>
    %dma_start3A_5 = tpu.memref_squeeze %dma_start3A_4 : memref<1x128xi32, #tpu.memory_space<vmem>> -> memref<128xi32, #tpu.memory_space<vmem>>
    %dma_start3A_6 = arith.constant 0 : i32
    %dma_start3A_7 = arith.constant 0 : i32
    %dma_start3A_8 = tpu.memref_slice %arg2[%dma_start3A_6, %dma_start3A_7] : memref<4096x64xf32, #tpu.memory_space<hbm>> -> memref<4096x64xf32, #tpu.memory_space<hbm>>
    tpu.enqueue_indirect_dma source(%dma_start3A_8 : memref<4096x64xf32, #tpu.memory_space<hbm>>) target(%arg6 : memref<128x64xf32, #tpu.memory_space<vmem>>) offsets(%dma_start3A_5 : memref<128xi32, #tpu.memory_space<vmem>>) semaphore(%arg9 : memref<!tpu.dma_semaphore, #tpu.memory_space<semaphore_mem>>)
    %dma_start3A_9 = arith.constant 1 : i32
    %dma_start3A_10 = arith.constant 0 : i32
    %dma_start3A_11 = tpu.memref_slice %arg5[%dma_start3A_9, %dma_start3A_10] : memref<30x128xi32, #tpu.memory_space<vmem>> -> memref<1x128xi32, #tpu.memory_space<vmem>>
    %dma_start3A_12 = tpu.memref_squeeze %dma_start3A_11 : memref<1x128xi32, #tpu.memory_space<vmem>> -> memref<128xi32, #tpu.memory_space<vmem>>
    %dma_start3A_13 = arith.constant 0 : i32
    %dma_start3A_14 = arith.constant 0 : i32
    %dma_start3A_15 = tpu.memref_slice %arg2[%dma_start3A_13, %dma_start3A_14] : memref<4096x64xf32, #tpu.memory_space<hbm>> -> memref<4096x64xf32, #tpu.memory_space<hbm>>
    tpu.enqueue_indirect_dma source(%dma_start3A_15 : memref<4096x64xf32, #tpu.memory_space<hbm>>) target(%arg7 : memref<128x64xf32, #tpu.memory_space<vmem>>) offsets(%dma_start3A_12 : memref<128xi32, #tpu.memory_space<vmem>>) semaphore(%arg10 : memref<!tpu.dma_semaphore, #tpu.memory_space<semaphore_mem>>)
    %dma_start3A_16 = arith.constant 2 : i32
    %dma_start3A_17 = arith.constant 0 : i32
    %dma_start3A_18 = tpu.memref_slice %arg5[%dma_start3A_16, %dma_start3A_17] : memref<30x128xi32, #tpu.memory_space<vmem>> -> memref<1x128xi32, #tpu.memory_space<vmem>>
    %dma_start3A_19 = tpu.memref_squeeze %dma_start3A_18 : memref<1x128xi32, #tpu.memory_space<vmem>> -> memref<128xi32, #tpu.memory_space<vmem>>
    %dma_start3A_20 = arith.constant 0 : i32
    %dma_start3A_21 = arith.constant 0 : i32
    %dma_start3A_22 = tpu.memref_slice %arg2[%dma_start3A_20, %dma_start3A_21] : memref<4096x64xf32, #tpu.memory_space<hbm>> -> memref<4096x64xf32, #tpu.memory_space<hbm>>
    tpu.enqueue_indirect_dma source(%dma_start3A_22 : memref<4096x64xf32, #tpu.memory_space<hbm>>) target(%arg8 : memref<128x64xf32, #tpu.memory_space<vmem>>) offsets(%dma_start3A_19 : memref<128xi32, #tpu.memory_space<vmem>>) semaphore(%arg11 : memref<!tpu.dma_semaphore, #tpu.memory_space<semaphore_mem>>)
    %scan3A = arith.constant 0 : i32
    %scan3A_23 = arith.constant 10 : i32
    %scan3A_24 = arith.addi %scan3A, %scan3A_23 : i32
    %scan3A_25 = arith.constant 1 : i32
    scf.for %scan3A_27 = %scan3A to %scan3A_24 step %scan3A_25  : i32 {
      %mul3A_28 = arith.constant 3 : i32
      %mul3A_29 = arith.muli %scan3A_27, %mul3A_28 : i32
      %add3A_30 = arith.constant 0 : i32
      %add3A_31 = arith.addi %add3A_30, %mul3A_29 : i32
      %add3A_32 = arith.constant 0 : i32
      %add3A_33 = arith.addi %add3A_31, %add3A_32 : i32
      %dma_wait3A = arith.constant 0 : i32
      %dma_wait3A_34 = tpu.memref_slice %arg5[%add3A_33, %dma_wait3A] : memref<30x128xi32, #tpu.memory_space<vmem>> -> memref<1x128xi32, #tpu.memory_space<vmem>>
      %dma_wait3A_35 = tpu.memref_squeeze %dma_wait3A_34 : memref<1x128xi32, #tpu.memory_space<vmem>> -> memref<128xi32, #tpu.memory_space<vmem>>
      %dma_wait3A_36 = arith.constant 0 : i32
      %dma_wait3A_37 = arith.constant 0 : i32
      %dma_wait3A_38 = tpu.memref_slice %arg2[%dma_wait3A_36, %dma_wait3A_37] : memref<4096x64xf32, #tpu.memory_space<hbm>> -> memref<4096x64xf32, #tpu.memory_space<hbm>>
      tpu.wait_indirect_dma semaphore(%arg9 : memref<!tpu.dma_semaphore, #tpu.memory_space<semaphore_mem>>) src(%dma_wait3A_38 : memref<4096x64xf32, #tpu.memory_space<hbm>>) dst(%arg6 : memref<128x64xf32, #tpu.memory_space<vmem>>)
      %mul3A_39 = arith.constant 30 : i32
      %mul3A_40 = arith.muli %add3A, %mul3A_39 : i32
      %add3A_41 = arith.addi %mul3A_40, %add3A_33 : i32
      %mul3A_42 = arith.constant 128 : i32
      %mul3A_43 = arith.muli %add3A_41, %mul3A_42 : i32
      "tpu.region"() ({
        %run_scoped3A = tpu.sem_alloc : memref<!tpu.dma_semaphore, #tpu.memory_space<semaphore_mem>>
        %dma_start3A_88 = arith.constant 0 : i32
        %dma_start3A_89 = tpu.memref_slice %arg4[%mul3A_43, %dma_start3A_88] : memref<122880x64xf32, #tpu.memory_space<hbm>> -> memref<128x64xf32, #tpu.memory_space<hbm>>
        %dma_start3A_90 = arith.constant 0 : i32
        %dma_start3A_91 = tpu.memref_slice %arg4[%mul3A_43, %dma_start3A_90] : memref<122880x64xf32, #tpu.memory_space<hbm>> -> memref<128x64xf32, #tpu.memory_space<hbm>>
        tpu.enqueue_dma source(%arg6 : memref<128x64xf32, #tpu.memory_space<vmem>>) target(%dma_start3A_91 : memref<128x64xf32, #tpu.memory_space<hbm>>) target_semaphore(%run_scoped3A : memref<!tpu.dma_semaphore, #tpu.memory_space<semaphore_mem>>)
        %dma_wait3A_92 = arith.constant 0 : i32
        %dma_wait3A_93 = tpu.memref_slice %arg4[%mul3A_43, %dma_wait3A_92] : memref<122880x64xf32, #tpu.memory_space<hbm>> -> memref<128x64xf32, #tpu.memory_space<hbm>>
        %dma_wait3A_94 = arith.constant 0 : i32
        %dma_wait3A_95 = tpu.memref_slice %arg4[%mul3A_43, %dma_wait3A_94] : memref<122880x64xf32, #tpu.memory_space<hbm>> -> memref<128x64xf32, #tpu.memory_space<hbm>>
        tpu.wait_dma2 semaphore(%run_scoped3A : memref<!tpu.dma_semaphore, #tpu.memory_space<semaphore_mem>>) src(%arg6 : memref<128x64xf32, #tpu.memory_space<vmem>>) dst(%dma_wait3A_95 : memref<128x64xf32, #tpu.memory_space<hbm>>)
        tpu.yield
      }) : () -> ()
      %add3A_44 = arith.constant 3 : i32
      %add3A_45 = arith.addi %add3A_33, %add3A_44 : i32
      %lt3A = arith.constant 30 : i32
      %lt3A_46 = arith.cmpi slt, %add3A_45, %lt3A : i32
      %convert_element_type3A = arith.extui %lt3A_46 : i1 to i32
      %cond3A = arith.constant 0 : i32
      %cond3A_47 = arith.cmpi ne, %convert_element_type3A, %cond3A : i32
      scf.if %cond3A_47 {
        %dma_start3A_88 = arith.constant 0 : i32
        %dma_start3A_89 = tpu.memref_slice %arg5[%add3A_45, %dma_start3A_88] : memref<30x128xi32, #tpu.memory_space<vmem>> -> memref<1x128xi32, #tpu.memory_space<vmem>>
        %dma_start3A_90 = tpu.memref_squeeze %dma_start3A_89 : memref<1x128xi32, #tpu.memory_space<vmem>> -> memref<128xi32, #tpu.memory_space<vmem>>
        %dma_start3A_91 = arith.constant 0 : i32
        %dma_start3A_92 = arith.constant 0 : i32
        %dma_start3A_93 = tpu.memref_slice %arg2[%dma_start3A_91, %dma_start3A_92] : memref<4096x64xf32, #tpu.memory_space<hbm>> -> memref<4096x64xf32, #tpu.memory_space<hbm>>
        tpu.enqueue_indirect_dma source(%dma_start3A_93 : memref<4096x64xf32, #tpu.memory_space<hbm>>) target(%arg6 : memref<128x64xf32, #tpu.memory_space<vmem>>) offsets(%dma_start3A_90 : memref<128xi32, #tpu.memory_space<vmem>>) semaphore(%arg9 : memref<!tpu.dma_semaphore, #tpu.memory_space<semaphore_mem>>)
      } else {
      }
      %add3A_48 = arith.constant 1 : i32
      %add3A_49 = arith.addi %add3A_31, %add3A_48 : i32
      %dma_wait3A_50 = arith.constant 0 : i32
      %dma_wait3A_51 = tpu.memref_slice %arg5[%add3A_49, %dma_wait3A_50] : memref<30x128xi32, #tpu.memory_space<vmem>> -> memref<1x128xi32, #tpu.memory_space<vmem>>
      %dma_wait3A_52 = tpu.memref_squeeze %dma_wait3A_51 : memref<1x128xi32, #tpu.memory_space<vmem>> -> memref<128xi32, #tpu.memory_space<vmem>>
      %dma_wait3A_53 = arith.constant 0 : i32
      %dma_wait3A_54 = arith.constant 0 : i32
      %dma_wait3A_55 = tpu.memref_slice %arg2[%dma_wait3A_53, %dma_wait3A_54] : memref<4096x64xf32, #tpu.memory_space<hbm>> -> memref<4096x64xf32, #tpu.memory_space<hbm>>
      tpu.wait_indirect_dma semaphore(%arg10 : memref<!tpu.dma_semaphore, #tpu.memory_space<semaphore_mem>>) src(%dma_wait3A_55 : memref<4096x64xf32, #tpu.memory_space<hbm>>) dst(%arg7 : memref<128x64xf32, #tpu.memory_space<vmem>>)
      %mul3A_56 = arith.constant 30 : i32
      %mul3A_57 = arith.muli %add3A, %mul3A_56 : i32
      %add3A_58 = arith.addi %mul3A_57, %add3A_49 : i32
      %mul3A_59 = arith.constant 128 : i32
      %mul3A_60 = arith.muli %add3A_58, %mul3A_59 : i32
      "tpu.region"() ({
        %run_scoped3A = tpu.sem_alloc : memref<!tpu.dma_semaphore, #tpu.memory_space<semaphore_mem>>
        %dma_start3A_88 = arith.constant 0 : i32
        %dma_start3A_89 = tpu.memref_slice %arg4[%mul3A_60, %dma_start3A_88] : memref<122880x64xf32, #tpu.memory_space<hbm>> -> memref<128x64xf32, #tpu.memory_space<hbm>>
        %dma_start3A_90 = arith.constant 0 : i32
        %dma_start3A_91 = tpu.memref_slice %arg4[%mul3A_60, %dma_start3A_90] : memref<122880x64xf32, #tpu.memory_space<hbm>> -> memref<128x64xf32, #tpu.memory_space<hbm>>
        tpu.enqueue_dma source(%arg7 : memref<128x64xf32, #tpu.memory_space<vmem>>) target(%dma_start3A_91 : memref<128x64xf32, #tpu.memory_space<hbm>>) target_semaphore(%run_scoped3A : memref<!tpu.dma_semaphore, #tpu.memory_space<semaphore_mem>>)
        %dma_wait3A_92 = arith.constant 0 : i32
        %dma_wait3A_93 = tpu.memref_slice %arg4[%mul3A_60, %dma_wait3A_92] : memref<122880x64xf32, #tpu.memory_space<hbm>> -> memref<128x64xf32, #tpu.memory_space<hbm>>
        %dma_wait3A_94 = arith.constant 0 : i32
        %dma_wait3A_95 = tpu.memref_slice %arg4[%mul3A_60, %dma_wait3A_94] : memref<122880x64xf32, #tpu.memory_space<hbm>> -> memref<128x64xf32, #tpu.memory_space<hbm>>
        tpu.wait_dma2 semaphore(%run_scoped3A : memref<!tpu.dma_semaphore, #tpu.memory_space<semaphore_mem>>) src(%arg7 : memref<128x64xf32, #tpu.memory_space<vmem>>) dst(%dma_wait3A_95 : memref<128x64xf32, #tpu.memory_space<hbm>>)
        tpu.yield
      }) : () -> ()
      %add3A_61 = arith.constant 3 : i32
      %add3A_62 = arith.addi %add3A_49, %add3A_61 : i32
      %lt3A_63 = arith.constant 30 : i32
      %lt3A_64 = arith.cmpi slt, %add3A_62, %lt3A_63 : i32
      %convert_element_type3A_65 = arith.extui %lt3A_64 : i1 to i32
      %cond3A_66 = arith.constant 0 : i32
      %cond3A_67 = arith.cmpi ne, %convert_element_type3A_65, %cond3A_66 : i32
      scf.if %cond3A_67 {
        %dma_start3A_88 = arith.constant 0 : i32
        %dma_start3A_89 = tpu.memref_slice %arg5[%add3A_62, %dma_start3A_88] : memref<30x128xi32, #tpu.memory_space<vmem>> -> memref<1x128xi32, #tpu.memory_space<vmem>>
        %dma_start3A_90 = tpu.memref_squeeze %dma_start3A_89 : memref<1x128xi32, #tpu.memory_space<vmem>> -> memref<128xi32, #tpu.memory_space<vmem>>
        %dma_start3A_91 = arith.constant 0 : i32
        %dma_start3A_92 = arith.constant 0 : i32
        %dma_start3A_93 = tpu.memref_slice %arg2[%dma_start3A_91, %dma_start3A_92] : memref<4096x64xf32, #tpu.memory_space<hbm>> -> memref<4096x64xf32, #tpu.memory_space<hbm>>
        tpu.enqueue_indirect_dma source(%dma_start3A_93 : memref<4096x64xf32, #tpu.memory_space<hbm>>) target(%arg7 : memref<128x64xf32, #tpu.memory_space<vmem>>) offsets(%dma_start3A_90 : memref<128xi32, #tpu.memory_space<vmem>>) semaphore(%arg10 : memref<!tpu.dma_semaphore, #tpu.memory_space<semaphore_mem>>)
      } else {
      }
      %add3A_68 = arith.constant 2 : i32
      %add3A_69 = arith.addi %add3A_31, %add3A_68 : i32
      %dma_wait3A_70 = arith.constant 0 : i32
      %dma_wait3A_71 = tpu.memref_slice %arg5[%add3A_69, %dma_wait3A_70] : memref<30x128xi32, #tpu.memory_space<vmem>> -> memref<1x128xi32, #tpu.memory_space<vmem>>
      %dma_wait3A_72 = tpu.memref_squeeze %dma_wait3A_71 : memref<1x128xi32, #tpu.memory_space<vmem>> -> memref<128xi32, #tpu.memory_space<vmem>>
      %dma_wait3A_73 = arith.constant 0 : i32
      %dma_wait3A_74 = arith.constant 0 : i32
      %dma_wait3A_75 = tpu.memref_slice %arg2[%dma_wait3A_73, %dma_wait3A_74] : memref<4096x64xf32, #tpu.memory_space<hbm>> -> memref<4096x64xf32, #tpu.memory_space<hbm>>
      tpu.wait_indirect_dma semaphore(%arg11 : memref<!tpu.dma_semaphore, #tpu.memory_space<semaphore_mem>>) src(%dma_wait3A_75 : memref<4096x64xf32, #tpu.memory_space<hbm>>) dst(%arg8 : memref<128x64xf32, #tpu.memory_space<vmem>>)
      %mul3A_76 = arith.constant 30 : i32
      %mul3A_77 = arith.muli %add3A, %mul3A_76 : i32
      %add3A_78 = arith.addi %mul3A_77, %add3A_69 : i32
      %mul3A_79 = arith.constant 128 : i32
      %mul3A_80 = arith.muli %add3A_78, %mul3A_79 : i32
      "tpu.region"() ({
        %run_scoped3A = tpu.sem_alloc : memref<!tpu.dma_semaphore, #tpu.memory_space<semaphore_mem>>
        %dma_start3A_88 = arith.constant 0 : i32
        %dma_start3A_89 = tpu.memref_slice %arg4[%mul3A_80, %dma_start3A_88] : memref<122880x64xf32, #tpu.memory_space<hbm>> -> memref<128x64xf32, #tpu.memory_space<hbm>>
        %dma_start3A_90 = arith.constant 0 : i32
        %dma_start3A_91 = tpu.memref_slice %arg4[%mul3A_80, %dma_start3A_90] : memref<122880x64xf32, #tpu.memory_space<hbm>> -> memref<128x64xf32, #tpu.memory_space<hbm>>
        tpu.enqueue_dma source(%arg8 : memref<128x64xf32, #tpu.memory_space<vmem>>) target(%dma_start3A_91 : memref<128x64xf32, #tpu.memory_space<hbm>>) target_semaphore(%run_scoped3A : memref<!tpu.dma_semaphore, #tpu.memory_space<semaphore_mem>>)
        %dma_wait3A_92 = arith.constant 0 : i32
        %dma_wait3A_93 = tpu.memref_slice %arg4[%mul3A_80, %dma_wait3A_92] : memref<122880x64xf32, #tpu.memory_space<hbm>> -> memref<128x64xf32, #tpu.memory_space<hbm>>
        %dma_wait3A_94 = arith.constant 0 : i32
        %dma_wait3A_95 = tpu.memref_slice %arg4[%mul3A_80, %dma_wait3A_94] : memref<122880x64xf32, #tpu.memory_space<hbm>> -> memref<128x64xf32, #tpu.memory_space<hbm>>
        tpu.wait_dma2 semaphore(%run_scoped3A : memref<!tpu.dma_semaphore, #tpu.memory_space<semaphore_mem>>) src(%arg8 : memref<128x64xf32, #tpu.memory_space<vmem>>) dst(%dma_wait3A_95 : memref<128x64xf32, #tpu.memory_space<hbm>>)
        tpu.yield
      }) : () -> ()
      %add3A_81 = arith.constant 3 : i32
      %add3A_82 = arith.addi %add3A_69, %add3A_81 : i32
      %lt3A_83 = arith.constant 30 : i32
      %lt3A_84 = arith.cmpi slt, %add3A_82, %lt3A_83 : i32
      %convert_element_type3A_85 = arith.extui %lt3A_84 : i1 to i32
      %cond3A_86 = arith.constant 0 : i32
      %cond3A_87 = arith.cmpi ne, %convert_element_type3A_85, %cond3A_86 : i32
      scf.if %cond3A_87 {
        %dma_start3A_88 = arith.constant 0 : i32
        %dma_start3A_89 = tpu.memref_slice %arg5[%add3A_82, %dma_start3A_88] : memref<30x128xi32, #tpu.memory_space<vmem>> -> memref<1x128xi32, #tpu.memory_space<vmem>>
        %dma_start3A_90 = tpu.memref_squeeze %dma_start3A_89 : memref<1x128xi32, #tpu.memory_space<vmem>> -> memref<128xi32, #tpu.memory_space<vmem>>
        %dma_start3A_91 = arith.constant 0 : i32
        %dma_start3A_92 = arith.constant 0 : i32
        %dma_start3A_93 = tpu.memref_slice %arg2[%dma_start3A_91, %dma_start3A_92] : memref<4096x64xf32, #tpu.memory_space<hbm>> -> memref<4096x64xf32, #tpu.memory_space<hbm>>
        tpu.enqueue_indirect_dma source(%dma_start3A_93 : memref<4096x64xf32, #tpu.memory_space<hbm>>) target(%arg8 : memref<128x64xf32, #tpu.memory_space<vmem>>) offsets(%dma_start3A_90 : memref<128xi32, #tpu.memory_space<vmem>>) semaphore(%arg11 : memref<!tpu.dma_semaphore, #tpu.memory_space<semaphore_mem>>)
      } else {
      }
    }
    %scan3A_26 = arith.constant 10 : i32
    return
  }
}

module attributes {stable_mosaic.version = 14 : i64} {
  func.func @_topk_body(%arg0: i32, %arg1: i32, %arg2: memref<1xi32, #tpu.memory_space<smem>>, %arg3: memref<1x64x512xf32, #tpu.memory_space<vmem>>, %arg4: memref<1x64x2048xf32, #tpu.memory_space<vmem>>, %arg5: memref<1x512x30xi32, #tpu.memory_space<vmem>>, %arg6: memref<1x512x64xf32, #tpu.memory_space<vmem>>, %arg7: memref<2x512x2048xf32, #tpu.memory_space<vmem>>) attributes {dimension_semantics = [#tpu.dimension_semantics<parallel>, #tpu.dimension_semantics<parallel>], iteration_bounds = array<i64: 2, 4>, scalar_prefetch = 0 : i64, scratch_operands = 1 : i64, tpu.core_type = #tpu.core_type<tc>, window_params = [{transform_indices = @transform_0, window_bounds = array<i64: 1>}, {transform_indices = @transform_1, window_bounds = array<i64: 1, 64, 512>}, {transform_indices = @transform_2, window_bounds = array<i64: 1, 64, 2048>}, {transform_indices = @transform_3, window_bounds = array<i64: 1, 512, 30>}, {transform_indices = @transform_4, window_bounds = array<i64: 1, 512, 64>}]} {
    %get3A = arith.constant 0 : index
    %get3A_0 = arith.constant 0 : index
    %get3A_1 = arith.constant 0 : index
    %get3A_2 = vector.load %arg3[%get3A, %get3A_0, %get3A_1] : memref<1x64x512xf32, #tpu.memory_space<vmem>>, vector<1x64x512xf32>
    %get3A_3 = vector.shape_cast %get3A_2 : vector<1x64x512xf32> to vector<64x512xf32>
    %get3A_4 = arith.constant 0 : index
    %get3A_5 = arith.constant 0 : index
    %get3A_6 = arith.constant 0 : index
    %get3A_7 = vector.load %arg4[%get3A_4, %get3A_5, %get3A_6] : memref<1x64x2048xf32, #tpu.memory_space<vmem>>, vector<1x64x2048xf32>
    %get3A_8 = vector.shape_cast %get3A_7 : vector<1x64x2048xf32> to vector<64x2048xf32>
    %transpose3A = tpu.transpose %get3A_3, [1, 0] : vector<64x512xf32> -> vector<512x64xf32>
    %swap3A = arith.constant 0 : index
    %swap3A_9 = arith.constant 0 : index
    %swap3A_10 = arith.constant 0 : index
    %swap3A_11 = vector.load %arg6[%swap3A, %swap3A_9, %swap3A_10] : memref<1x512x64xf32, #tpu.memory_space<vmem>>, vector<1x512x64xf32>
    %swap3A_12 = vector.shape_cast %swap3A_11 : vector<1x512x64xf32> to vector<512x64xf32>
    %swap3A_13 = vector.shape_cast %transpose3A : vector<512x64xf32> to vector<1x512x64xf32>
    tpu.vector_store %arg6[%swap3A, %swap3A_9, %swap3A_10], %swap3A_13 {strides = array<i32>} : memref<1x512x64xf32, #tpu.memory_space<vmem>>, vector<1x512x64xf32>,
    %dot_general3A = arith.constant dense<0.000000e+00> : vector<512x2048xf32>
    %dot_general3A_14 = tpu.matmul %get3A_3, %get3A_8, %dot_general3A {dimension_numbers = #tpu.dot_dimension_numbers<[0], [0], [1], [1], [0, 1, 1, 1], [], []>, transpose_lhs_hint = false} : vector<64x512xf32>, vector<64x2048xf32>, vector<512x2048xf32> -> vector<512x2048xf32>
    %mul3A = arith.mulf %get3A_8, %get3A_8 : vector<64x2048xf32>
    %reduce_sum3A = arith.constant dense<0.000000e+00> : vector<2048xf32>
    %reduce_sum3A_15 = vector.multi_reduction <add>, %mul3A, %reduce_sum3A [0] : vector<64x2048xf32> to vector<2048xf32>
    %mul3A_16 = arith.mulf %get3A_3, %get3A_3 : vector<64x512xf32>
    %reduce_sum3A_17 = arith.constant dense<0.000000e+00> : vector<512xf32>
    %reduce_sum3A_18 = vector.multi_reduction <add>, %mul3A_16, %reduce_sum3A_17 [0] : vector<64x512xf32> to vector<512xf32>
    %mul3A_19 = arith.constant 2.000000e+00 : f32
    %mul3A_20 = vector.broadcast %mul3A_19 : f32 to vector<512x2048xf32>
    %mul3A_21 = arith.mulf %mul3A_20, %dot_general3A_14 : vector<512x2048xf32>
    %broadcast_in_dim3A = vector.shape_cast %reduce_sum3A_15 : vector<2048xf32> to vector<1x2048xf32>
    %sub3A = vector.broadcast %broadcast_in_dim3A : vector<1x2048xf32> to vector<512x2048xf32>
    %sub3A_22 = arith.subf %mul3A_21, %sub3A : vector<512x2048xf32>
    %broadcast_in_dim3A_23 = vector.shape_cast %reduce_sum3A_18 : vector<512xf32> to vector<512x1xf32>
    %sub3A_24 = vector.broadcast %broadcast_in_dim3A_23 : vector<512x1xf32> to vector<512x2048xf32>
    %sub3A_25 = arith.subf %sub3A_22, %sub3A_24 : vector<512x2048xf32>
    %swap3A_26 = arith.constant 0 : index
    %swap3A_27 = arith.constant 0 : index
    %swap3A_28 = arith.constant 0 : index
    %swap3A_29 = vector.load %arg7[%swap3A_26, %swap3A_27, %swap3A_28] : memref<2x512x2048xf32, #tpu.memory_space<vmem>>, vector<1x512x2048xf32>
    %swap3A_30 = vector.shape_cast %swap3A_29 : vector<1x512x2048xf32> to vector<512x2048xf32>
    %swap3A_31 = vector.shape_cast %sub3A_25 : vector<512x2048xf32> to vector<1x512x2048xf32>
    tpu.vector_store %arg7[%swap3A_26, %swap3A_27, %swap3A_28], %swap3A_31 {strides = array<i32>} : memref<2x512x2048xf32, #tpu.memory_space<vmem>>, vector<1x512x2048xf32>,
    %iota3A = tpu.iota {dimensions = array<i32: 1>} : vector<128x2048xi32>
    %iota3A_32 = tpu.iota {dimensions = array<i32: 0>} : vector<32x128xi32>
    %mul3A_33 = arith.constant 2048 : i32
    %mul3A_34 = arith.muli %arg0, %mul3A_33 : i32
    %get3A_35 = arith.constant 0 : index
    %get3A_36 = memref.load %arg2[%get3A_35] : memref<1xi32, #tpu.memory_space<smem>>
    %add3A = arith.addi %mul3A_34, %get3A_36 : i32
    %broadcast_in_dim3A_37 = arith.constant 0 : i32
    %broadcast_in_dim3A_38 = vector.broadcast %broadcast_in_dim3A_37 : i32 to vector<32x128xi32>
    %broadcast_in_dim3A_39 = arith.constant 0 : i32
    %broadcast_in_dim3A_40 = vector.broadcast %broadcast_in_dim3A_39 : i32 to vector<32x128xi32>
    %broadcast_in_dim3A_41 = arith.constant 0 : i32
    %broadcast_in_dim3A_42 = vector.broadcast %broadcast_in_dim3A_41 : i32 to vector<32x128xi32>
    %broadcast_in_dim3A_43 = arith.constant 0 : i32
    %broadcast_in_dim3A_44 = vector.broadcast %broadcast_in_dim3A_43 : i32 to vector<32x128xi32>
    %scan3A = arith.constant 0 : i32
    %scan3A_45 = arith.constant 15 : i32
    %scan3A_46 = arith.addi %scan3A, %scan3A_45 : i32
    %scan3A_47 = arith.constant 1 : i32
    %scan3A_48:4 = scf.for %scan3A_57 = %scan3A to %scan3A_46 step %scan3A_47 iter_args(%scan3A_58 = %broadcast_in_dim3A_38, %scan3A_59 = %broadcast_in_dim3A_40, %scan3A_60 = %broadcast_in_dim3A_42, %scan3A_61 = %broadcast_in_dim3A_44) -> (vector<32x128xi32>, vector<32x128xi32>, vector<32x128xi32>, vector<32x128xi32>)  : i32 {
      %mul3A_62 = arith.constant 2 : i32
      %mul3A_63 = arith.muli %mul3A_62, %scan3A_57 : i32
      %get3A_64 = arith.constant 0 : index
      %get3A_65 = arith.constant 0 : index
      %get3A_66 = arith.constant 0 : index
      %get3A_67 = vector.load %arg7[%get3A_64, %get3A_65, %get3A_66] : memref<2x512x2048xf32, #tpu.memory_space<vmem>>, vector<1x128x2048xf32>
      %get3A_68 = vector.shape_cast %get3A_67 : vector<1x128x2048xf32> to vector<128x2048xf32>
      %reduce_max3A = arith.constant dense<0xFF800000> : vector<128xf32>
      %reduce_max3A_69 = vector.multi_reduction <maximumf>, %get3A_68, %reduce_max3A [1] : vector<128x2048xf32> to vector<128xf32>
      %broadcast_in_dim3A_70 = vector.shape_cast %reduce_max3A_69 : vector<128xf32> to vector<128x1xf32>
      %ge3A = vector.broadcast %broadcast_in_dim3A_70 : vector<128x1xf32> to vector<128x2048xf32>
      %ge3A_71 = arith.cmpf oge, %get3A_68, %ge3A : vector<128x2048xf32>
      %jit3A = arith.constant 2048 : i32
      %broadcast_in_dim3A_72 = vector.broadcast %jit3A : i32 to vector<128x2048xi32>
      %select_n3A = arith.select %ge3A_71, %iota3A, %broadcast_in_dim3A_72 : vector<128x2048xi1>, vector<128x2048xi32>
      %reduce_min3A = arith.constant dense<2147483647> : vector<128xi32>
      %reduce_min3A_73 = vector.multi_reduction <minsi>, %select_n3A, %reduce_min3A [1] : vector<128x2048xi32> to vector<128xi32>
      %broadcast_in_dim3A_74 = vector.shape_cast %reduce_min3A_73 : vector<128xi32> to vector<128x1xi32>
      %eq3A = vector.broadcast %broadcast_in_dim3A_74 : vector<128x1xi32> to vector<128x2048xi32>
      %eq3A_75 = arith.cmpi eq, %iota3A, %eq3A : vector<128x2048xi32>
      %jit3A_76 = arith.constant -3.000000e+38 : f32
      %broadcast_in_dim3A_77 = vector.broadcast %jit3A_76 : f32 to vector<128x2048xf32>
      %select_n3A_78 = arith.select %eq3A_75, %broadcast_in_dim3A_77, %get3A_68 : vector<128x2048xi1>, vector<128x2048xf32>
      %swap3A_79 = arith.constant 1 : index
      %swap3A_80 = arith.constant 0 : index
      %swap3A_81 = arith.constant 0 : index
      %swap3A_82 = vector.load %arg7[%swap3A_79, %swap3A_80, %swap3A_81] : memref<2x512x2048xf32, #tpu.memory_space<vmem>>, vector<1x128x2048xf32>
      %swap3A_83 = vector.shape_cast %swap3A_82 : vector<1x128x2048xf32> to vector<128x2048xf32>
      %swap3A_84 = vector.shape_cast %select_n3A_78 : vector<128x2048xf32> to vector<1x128x2048xf32>
      tpu.vector_store %arg7[%swap3A_79, %swap3A_80, %swap3A_81], %swap3A_84 {strides = array<i32>} : memref<2x512x2048xf32, #tpu.memory_space<vmem>>, vector<1x128x2048xf32>,
      %eq3A_85 = vector.broadcast %mul3A_63 : i32 to vector<32x128xi32>
      %eq3A_86 = arith.cmpi eq, %iota3A_32, %eq3A_85 : vector<32x128xi32>
      %add3A_87 = vector.broadcast %add3A : i32 to vector<128xi32>
      %add3A_88 = arith.addi %reduce_min3A_73, %add3A_87 : vector<128xi32>
      %broadcast_in_dim3A_89 = vector.shape_cast %add3A_88 : vector<128xi32> to vector<1x128xi32>
      %broadcast_in_dim3A_90 = vector.shape_cast %broadcast_in_dim3A_89 : vector<1x128xi32> to vector<1x128xi32>
      %broadcast_in_dim3A_91 = vector.broadcast %broadcast_in_dim3A_90 : vector<1x128xi32> to vector<32x128xi32>
      %select_n3A_92 = arith.select %eq3A_86, %broadcast_in_dim3A_91, %scan3A_58 : vector<32x128xi1>, vector<32x128xi32>
      %get3A_93 = arith.constant 0 : index
      %get3A_94 = arith.constant 128 : index
      %get3A_95 = arith.constant 0 : index
      %get3A_96 = vector.load %arg7[%get3A_93, %get3A_94, %get3A_95] : memref<2x512x2048xf32, #tpu.memory_space<vmem>>, vector<1x128x2048xf32>
      %get3A_97 = vector.shape_cast %get3A_96 : vector<1x128x2048xf32> to vector<128x2048xf32>
      %reduce_max3A_98 = arith.constant dense<0xFF800000> : vector<128xf32>
      %reduce_max3A_99 = vector.multi_reduction <maximumf>, %get3A_97, %reduce_max3A_98 [1] : vector<128x2048xf32> to vector<128xf32>
      %broadcast_in_dim3A_100 = vector.shape_cast %reduce_max3A_99 : vector<128xf32> to vector<128x1xf32>
      %ge3A_101 = vector.broadcast %broadcast_in_dim3A_100 : vector<128x1xf32> to vector<128x2048xf32>
      %ge3A_102 = arith.cmpf oge, %get3A_97, %ge3A_101 : vector<128x2048xf32>
      %jit3A_103 = arith.constant 2048 : i32
      %broadcast_in_dim3A_104 = vector.broadcast %jit3A_103 : i32 to vector<128x2048xi32>
      %select_n3A_105 = arith.select %ge3A_102, %iota3A, %broadcast_in_dim3A_104 : vector<128x2048xi1>, vector<128x2048xi32>
      %reduce_min3A_106 = arith.constant dense<2147483647> : vector<128xi32>
      %reduce_min3A_107 = vector.multi_reduction <minsi>, %select_n3A_105, %reduce_min3A_106 [1] : vector<128x2048xi32> to vector<128xi32>
      %broadcast_in_dim3A_108 = vector.shape_cast %reduce_min3A_107 : vector<128xi32> to vector<128x1xi32>
      %eq3A_109 = vector.broadcast %broadcast_in_dim3A_108 : vector<128x1xi32> to vector<128x2048xi32>
      %eq3A_110 = arith.cmpi eq, %iota3A, %eq3A_109 : vector<128x2048xi32>
      %jit3A_111 = arith.constant -3.000000e+38 : f32
      %broadcast_in_dim3A_112 = vector.broadcast %jit3A_111 : f32 to vector<128x2048xf32>
      %select_n3A_113 = arith.select %eq3A_110, %broadcast_in_dim3A_112, %get3A_97 : vector<128x2048xi1>, vector<128x2048xf32>
      %swap3A_114 = arith.constant 1 : index
      %swap3A_115 = arith.constant 128 : index
      %swap3A_116 = arith.constant 0 : index
      %swap3A_117 = vector.load %arg7[%swap3A_114, %swap3A_115, %swap3A_116] : memref<2x512x2048xf32, #tpu.memory_space<vmem>>, vector<1x128x2048xf32>
      %swap3A_118 = vector.shape_cast %swap3A_117 : vector<1x128x2048xf32> to vector<128x2048xf32>
      %swap3A_119 = vector.shape_cast %select_n3A_113 : vector<128x2048xf32> to vector<1x128x2048xf32>
      tpu.vector_store %arg7[%swap3A_114, %swap3A_115, %swap3A_116], %swap3A_119 {strides = array<i32>} : memref<2x512x2048xf32, #tpu.memory_space<vmem>>, vector<1x128x2048xf32>,
      %eq3A_120 = vector.broadcast %mul3A_63 : i32 to vector<32x128xi32>
      %eq3A_121 = arith.cmpi eq, %iota3A_32, %eq3A_120 : vector<32x128xi32>
      %add3A_122 = vector.broadcast %add3A : i32 to vector<128xi32>
      %add3A_123 = arith.addi %reduce_min3A_107, %add3A_122 : vector<128xi32>
      %broadcast_in_dim3A_124 = vector.shape_cast %add3A_123 : vector<128xi32> to vector<1x128xi32>
      %broadcast_in_dim3A_125 = vector.shape_cast %broadcast_in_dim3A_124 : vector<1x128xi32> to vector<1x128xi32>
      %broadcast_in_dim3A_126 = vector.broadcast %broadcast_in_dim3A_125 : vector<1x128xi32> to vector<32x128xi32>
      %select_n3A_127 = arith.select %eq3A_121, %broadcast_in_dim3A_126, %scan3A_59 : vector<32x128xi1>, vector<32x128xi32>
      %get3A_128 = arith.constant 0 : index
      %get3A_129 = arith.constant 256 : index
      %get3A_130 = arith.constant 0 : index
      %get3A_131 = vector.load %arg7[%get3A_128, %get3A_129, %get3A_130] : memref<2x512x2048xf32, #tpu.memory_space<vmem>>, vector<1x128x2048xf32>
      %get3A_132 = vector.shape_cast %get3A_131 : vector<1x128x2048xf32> to vector<128x2048xf32>
      %reduce_max3A_133 = arith.constant dense<0xFF800000> : vector<128xf32>
      %reduce_max3A_134 = vector.multi_reduction <maximumf>, %get3A_132, %reduce_max3A_133 [1] : vector<128x2048xf32> to vector<128xf32>
      %broadcast_in_dim3A_135 = vector.shape_cast %reduce_max3A_134 : vector<128xf32> to vector<128x1xf32>
      %ge3A_136 = vector.broadcast %broadcast_in_dim3A_135 : vector<128x1xf32> to vector<128x2048xf32>
      %ge3A_137 = arith.cmpf oge, %get3A_132, %ge3A_136 : vector<128x2048xf32>
      %jit3A_138 = arith.constant 2048 : i32
      %broadcast_in_dim3A_139 = vector.broadcast %jit3A_138 : i32 to vector<128x2048xi32>
      %select_n3A_140 = arith.select %ge3A_137, %iota3A, %broadcast_in_dim3A_139 : vector<128x2048xi1>, vector<128x2048xi32>
      %reduce_min3A_141 = arith.constant dense<2147483647> : vector<128xi32>
      %reduce_min3A_142 = vector.multi_reduction <minsi>, %select_n3A_140, %reduce_min3A_141 [1] : vector<128x2048xi32> to vector<128xi32>
      %broadcast_in_dim3A_143 = vector.shape_cast %reduce_min3A_142 : vector<128xi32> to vector<128x1xi32>
      %eq3A_144 = vector.broadcast %broadcast_in_dim3A_143 : vector<128x1xi32> to vector<128x2048xi32>
      %eq3A_145 = arith.cmpi eq, %iota3A, %eq3A_144 : vector<128x2048xi32>
      %jit3A_146 = arith.constant -3.000000e+38 : f32
      %broadcast_in_dim3A_147 = vector.broadcast %jit3A_146 : f32 to vector<128x2048xf32>
      %select_n3A_148 = arith.select %eq3A_145, %broadcast_in_dim3A_147, %get3A_132 : vector<128x2048xi1>, vector<128x2048xf32>
      %swap3A_149 = arith.constant 1 : index
      %swap3A_150 = arith.constant 256 : index
      %swap3A_151 = arith.constant 0 : index
      %swap3A_152 = vector.load %arg7[%swap3A_149, %swap3A_150, %swap3A_151] : memref<2x512x2048xf32, #tpu.memory_space<vmem>>, vector<1x128x2048xf32>
      %swap3A_153 = vector.shape_cast %swap3A_152 : vector<1x128x2048xf32> to vector<128x2048xf32>
      %swap3A_154 = vector.shape_cast %select_n3A_148 : vector<128x2048xf32> to vector<1x128x2048xf32>
      tpu.vector_store %arg7[%swap3A_149, %swap3A_150, %swap3A_151], %swap3A_154 {strides = array<i32>} : memref<2x512x2048xf32, #tpu.memory_space<vmem>>, vector<1x128x2048xf32>,
      %eq3A_155 = vector.broadcast %mul3A_63 : i32 to vector<32x128xi32>
      %eq3A_156 = arith.cmpi eq, %iota3A_32, %eq3A_155 : vector<32x128xi32>
      %add3A_157 = vector.broadcast %add3A : i32 to vector<128xi32>
      %add3A_158 = arith.addi %reduce_min3A_142, %add3A_157 : vector<128xi32>
      %broadcast_in_dim3A_159 = vector.shape_cast %add3A_158 : vector<128xi32> to vector<1x128xi32>
      %broadcast_in_dim3A_160 = vector.shape_cast %broadcast_in_dim3A_159 : vector<1x128xi32> to vector<1x128xi32>
      %broadcast_in_dim3A_161 = vector.broadcast %broadcast_in_dim3A_160 : vector<1x128xi32> to vector<32x128xi32>
      %select_n3A_162 = arith.select %eq3A_156, %broadcast_in_dim3A_161, %scan3A_60 : vector<32x128xi1>, vector<32x128xi32>
      %get3A_163 = arith.constant 0 : index
      %get3A_164 = arith.constant 384 : index
      %get3A_165 = arith.constant 0 : index
      %get3A_166 = vector.load %arg7[%get3A_163, %get3A_164, %get3A_165] : memref<2x512x2048xf32, #tpu.memory_space<vmem>>, vector<1x128x2048xf32>
      %get3A_167 = vector.shape_cast %get3A_166 : vector<1x128x2048xf32> to vector<128x2048xf32>
      %reduce_max3A_168 = arith.constant dense<0xFF800000> : vector<128xf32>
      %reduce_max3A_169 = vector.multi_reduction <maximumf>, %get3A_167, %reduce_max3A_168 [1] : vector<128x2048xf32> to vector<128xf32>
      %broadcast_in_dim3A_170 = vector.shape_cast %reduce_max3A_169 : vector<128xf32> to vector<128x1xf32>
      %ge3A_171 = vector.broadcast %broadcast_in_dim3A_170 : vector<128x1xf32> to vector<128x2048xf32>
      %ge3A_172 = arith.cmpf oge, %get3A_167, %ge3A_171 : vector<128x2048xf32>
      %jit3A_173 = arith.constant 2048 : i32
      %broadcast_in_dim3A_174 = vector.broadcast %jit3A_173 : i32 to vector<128x2048xi32>
      %select_n3A_175 = arith.select %ge3A_172, %iota3A, %broadcast_in_dim3A_174 : vector<128x2048xi1>, vector<128x2048xi32>
      %reduce_min3A_176 = arith.constant dense<2147483647> : vector<128xi32>
      %reduce_min3A_177 = vector.multi_reduction <minsi>, %select_n3A_175, %reduce_min3A_176 [1] : vector<128x2048xi32> to vector<128xi32>
      %broadcast_in_dim3A_178 = vector.shape_cast %reduce_min3A_177 : vector<128xi32> to vector<128x1xi32>
      %eq3A_179 = vector.broadcast %broadcast_in_dim3A_178 : vector<128x1xi32> to vector<128x2048xi32>
      %eq3A_180 = arith.cmpi eq, %iota3A, %eq3A_179 : vector<128x2048xi32>
      %jit3A_181 = arith.constant -3.000000e+38 : f32
      %broadcast_in_dim3A_182 = vector.broadcast %jit3A_181 : f32 to vector<128x2048xf32>
      %select_n3A_183 = arith.select %eq3A_180, %broadcast_in_dim3A_182, %get3A_167 : vector<128x2048xi1>, vector<128x2048xf32>
      %swap3A_184 = arith.constant 1 : index
      %swap3A_185 = arith.constant 384 : index
      %swap3A_186 = arith.constant 0 : index
      %swap3A_187 = vector.load %arg7[%swap3A_184, %swap3A_185, %swap3A_186] : memref<2x512x2048xf32, #tpu.memory_space<vmem>>, vector<1x128x2048xf32>
      %swap3A_188 = vector.shape_cast %swap3A_187 : vector<1x128x2048xf32> to vector<128x2048xf32>
      %swap3A_189 = vector.shape_cast %select_n3A_183 : vector<128x2048xf32> to vector<1x128x2048xf32>
      tpu.vector_store %arg7[%swap3A_184, %swap3A_185, %swap3A_186], %swap3A_189 {strides = array<i32>} : memref<2x512x2048xf32, #tpu.memory_space<vmem>>, vector<1x128x2048xf32>,
      %eq3A_190 = vector.broadcast %mul3A_63 : i32 to vector<32x128xi32>
      %eq3A_191 = arith.cmpi eq, %iota3A_32, %eq3A_190 : vector<32x128xi32>
      %add3A_192 = vector.broadcast %add3A : i32 to vector<128xi32>
      %add3A_193 = arith.addi %reduce_min3A_177, %add3A_192 : vector<128xi32>
      %broadcast_in_dim3A_194 = vector.shape_cast %add3A_193 : vector<128xi32> to vector<1x128xi32>
      %broadcast_in_dim3A_195 = vector.shape_cast %broadcast_in_dim3A_194 : vector<1x128xi32> to vector<1x128xi32>
      %broadcast_in_dim3A_196 = vector.broadcast %broadcast_in_dim3A_195 : vector<1x128xi32> to vector<32x128xi32>
      %select_n3A_197 = arith.select %eq3A_191, %broadcast_in_dim3A_196, %scan3A_61 : vector<32x128xi1>, vector<32x128xi32>
      %mul3A_198 = arith.constant 2 : i32
      %mul3A_199 = arith.muli %mul3A_198, %scan3A_57 : i32
      %add3A_200 = arith.constant 1 : i32
      %add3A_201 = arith.addi %mul3A_199, %add3A_200 : i32
      %get3A_202 = arith.constant 1 : index
      %get3A_203 = arith.constant 0 : index
      %get3A_204 = arith.constant 0 : index
      %get3A_205 = vector.load %arg7[%get3A_202, %get3A_203, %get3A_204] : memref<2x512x2048xf32, #tpu.memory_space<vmem>>, vector<1x128x2048xf32>
      %get3A_206 = vector.shape_cast %get3A_205 : vector<1x128x2048xf32> to vector<128x2048xf32>
      %reduce_max3A_207 = arith.constant dense<0xFF800000> : vector<128xf32>
      %reduce_max3A_208 = vector.multi_reduction <maximumf>, %get3A_206, %reduce_max3A_207 [1] : vector<128x2048xf32> to vector<128xf32>
      %broadcast_in_dim3A_209 = vector.shape_cast %reduce_max3A_208 : vector<128xf32> to vector<128x1xf32>
      %ge3A_210 = vector.broadcast %broadcast_in_dim3A_209 : vector<128x1xf32> to vector<128x2048xf32>
      %ge3A_211 = arith.cmpf oge, %get3A_206, %ge3A_210 : vector<128x2048xf32>
      %jit3A_212 = arith.constant 2048 : i32
      %broadcast_in_dim3A_213 = vector.broadcast %jit3A_212 : i32 to vector<128x2048xi32>
      %select_n3A_214 = arith.select %ge3A_211, %iota3A, %broadcast_in_dim3A_213 : vector<128x2048xi1>, vector<128x2048xi32>
      %reduce_min3A_215 = arith.constant dense<2147483647> : vector<128xi32>
      %reduce_min3A_216 = vector.multi_reduction <minsi>, %select_n3A_214, %reduce_min3A_215 [1] : vector<128x2048xi32> to vector<128xi32>
      %broadcast_in_dim3A_217 = vector.shape_cast %reduce_min3A_216 : vector<128xi32> to vector<128x1xi32>
      %eq3A_218 = vector.broadcast %broadcast_in_dim3A_217 : vector<128x1xi32> to vector<128x2048xi32>
      %eq3A_219 = arith.cmpi eq, %iota3A, %eq3A_218 : vector<128x2048xi32>
      %jit3A_220 = arith.constant -3.000000e+38 : f32
      %broadcast_in_dim3A_221 = vector.broadcast %jit3A_220 : f32 to vector<128x2048xf32>
      %select_n3A_222 = arith.select %eq3A_219, %broadcast_in_dim3A_221, %get3A_206 : vector<128x2048xi1>, vector<128x2048xf32>
      %swap3A_223 = arith.constant 0 : index
      %swap3A_224 = arith.constant 0 : index
      %swap3A_225 = arith.constant 0 : index
      %swap3A_226 = vector.load %arg7[%swap3A_223, %swap3A_224, %swap3A_225] : memref<2x512x2048xf32, #tpu.memory_space<vmem>>, vector<1x128x2048xf32>
      %swap3A_227 = vector.shape_cast %swap3A_226 : vector<1x128x2048xf32> to vector<128x2048xf32>
      %swap3A_228 = vector.shape_cast %select_n3A_222 : vector<128x2048xf32> to vector<1x128x2048xf32>
      tpu.vector_store %arg7[%swap3A_223, %swap3A_224, %swap3A_225], %swap3A_228 {strides = array<i32>} : memref<2x512x2048xf32, #tpu.memory_space<vmem>>, vector<1x128x2048xf32>,
      %eq3A_229 = vector.broadcast %add3A_201 : i32 to vector<32x128xi32>
      %eq3A_230 = arith.cmpi eq, %iota3A_32, %eq3A_229 : vector<32x128xi32>
      %add3A_231 = vector.broadcast %add3A : i32 to vector<128xi32>
      %add3A_232 = arith.addi %reduce_min3A_216, %add3A_231 : vector<128xi32>
      %broadcast_in_dim3A_233 = vector.shape_cast %add3A_232 : vector<128xi32> to vector<1x128xi32>
      %broadcast_in_dim3A_234 = vector.shape_cast %broadcast_in_dim3A_233 : vector<1x128xi32> to vector<1x128xi32>
      %broadcast_in_dim3A_235 = vector.broadcast %broadcast_in_dim3A_234 : vector<1x128xi32> to vector<32x128xi32>
      %select_n3A_236 = arith.select %eq3A_230, %broadcast_in_dim3A_235, %select_n3A_92 : vector<32x128xi1>, vector<32x128xi32>
      %get3A_237 = arith.constant 1 : index
      %get3A_238 = arith.constant 128 : index
      %get3A_239 = arith.constant 0 : index
      %get3A_240 = vector.load %arg7[%get3A_237, %get3A_238, %get3A_239] : memref<2x512x2048xf32, #tpu.memory_space<vmem>>, vector<1x128x2048xf32>
      %get3A_241 = vector.shape_cast %get3A_240 : vector<1x128x2048xf32> to vector<128x2048xf32>
      %reduce_max3A_242 = arith.constant dense<0xFF800000> : vector<128xf32>
      %reduce_max3A_243 = vector.multi_reduction <maximumf>, %get3A_241, %reduce_max3A_242 [1] : vector<128x2048xf32> to vector<128xf32>
      %broadcast_in_dim3A_244 = vector.shape_cast %reduce_max3A_243 : vector<128xf32> to vector<128x1xf32>
      %ge3A_245 = vector.broadcast %broadcast_in_dim3A_244 : vector<128x1xf32> to vector<128x2048xf32>
      %ge3A_246 = arith.cmpf oge, %get3A_241, %ge3A_245 : vector<128x2048xf32>
      %jit3A_247 = arith.constant 2048 : i32
      %broadcast_in_dim3A_248 = vector.broadcast %jit3A_247 : i32 to vector<128x2048xi32>
      %select_n3A_249 = arith.select %ge3A_246, %iota3A, %broadcast_in_dim3A_248 : vector<128x2048xi1>, vector<128x2048xi32>
      %reduce_min3A_250 = arith.constant dense<2147483647> : vector<128xi32>
      %reduce_min3A_251 = vector.multi_reduction <minsi>, %select_n3A_249, %reduce_min3A_250 [1] : vector<128x2048xi32> to vector<128xi32>
      %broadcast_in_dim3A_252 = vector.shape_cast %reduce_min3A_251 : vector<128xi32> to vector<128x1xi32>
      %eq3A_253 = vector.broadcast %broadcast_in_dim3A_252 : vector<128x1xi32> to vector<128x2048xi32>
      %eq3A_254 = arith.cmpi eq, %iota3A, %eq3A_253 : vector<128x2048xi32>
      %jit3A_255 = arith.constant -3.000000e+38 : f32
      %broadcast_in_dim3A_256 = vector.broadcast %jit3A_255 : f32 to vector<128x2048xf32>
      %select_n3A_257 = arith.select %eq3A_254, %broadcast_in_dim3A_256, %get3A_241 : vector<128x2048xi1>, vector<128x2048xf32>
      %swap3A_258 = arith.constant 0 : index
      %swap3A_259 = arith.constant 128 : index
      %swap3A_260 = arith.constant 0 : index
      %swap3A_261 = vector.load %arg7[%swap3A_258, %swap3A_259, %swap3A_260] : memref<2x512x2048xf32, #tpu.memory_space<vmem>>, vector<1x128x2048xf32>
      %swap3A_262 = vector.shape_cast %swap3A_261 : vector<1x128x2048xf32> to vector<128x2048xf32>
      %swap3A_263 = vector.shape_cast %select_n3A_257 : vector<128x2048xf32> to vector<1x128x2048xf32>
      tpu.vector_store %arg7[%swap3A_258, %swap3A_259, %swap3A_260], %swap3A_263 {strides = array<i32>} : memref<2x512x2048xf32, #tpu.memory_space<vmem>>, vector<1x128x2048xf32>,
      %eq3A_264 = vector.broadcast %add3A_201 : i32 to vector<32x128xi32>
      %eq3A_265 = arith.cmpi eq, %iota3A_32, %eq3A_264 : vector<32x128xi32>
      %add3A_266 = vector.broadcast %add3A : i32 to vector<128xi32>
      %add3A_267 = arith.addi %reduce_min3A_251, %add3A_266 : vector<128xi32>
      %broadcast_in_dim3A_268 = vector.shape_cast %add3A_267 : vector<128xi32> to vector<1x128xi32>
      %broadcast_in_dim3A_269 = vector.shape_cast %broadcast_in_dim3A_268 : vector<1x128xi32> to vector<1x128xi32>
      %broadcast_in_dim3A_270 = vector.broadcast %broadcast_in_dim3A_269 : vector<1x128xi32> to vector<32x128xi32>
      %select_n3A_271 = arith.select %eq3A_265, %broadcast_in_dim3A_270, %select_n3A_127 : vector<32x128xi1>, vector<32x128xi32>
      %get3A_272 = arith.constant 1 : index
      %get3A_273 = arith.constant 256 : index
      %get3A_274 = arith.constant 0 : index
      %get3A_275 = vector.load %arg7[%get3A_272, %get3A_273, %get3A_274] : memref<2x512x2048xf32, #tpu.memory_space<vmem>>, vector<1x128x2048xf32>
      %get3A_276 = vector.shape_cast %get3A_275 : vector<1x128x2048xf32> to vector<128x2048xf32>
      %reduce_max3A_277 = arith.constant dense<0xFF800000> : vector<128xf32>
      %reduce_max3A_278 = vector.multi_reduction <maximumf>, %get3A_276, %reduce_max3A_277 [1] : vector<128x2048xf32> to vector<128xf32>
      %broadcast_in_dim3A_279 = vector.shape_cast %reduce_max3A_278 : vector<128xf32> to vector<128x1xf32>
      %ge3A_280 = vector.broadcast %broadcast_in_dim3A_279 : vector<128x1xf32> to vector<128x2048xf32>
      %ge3A_281 = arith.cmpf oge, %get3A_276, %ge3A_280 : vector<128x2048xf32>
      %jit3A_282 = arith.constant 2048 : i32
      %broadcast_in_dim3A_283 = vector.broadcast %jit3A_282 : i32 to vector<128x2048xi32>
      %select_n3A_284 = arith.select %ge3A_281, %iota3A, %broadcast_in_dim3A_283 : vector<128x2048xi1>, vector<128x2048xi32>
      %reduce_min3A_285 = arith.constant dense<2147483647> : vector<128xi32>
      %reduce_min3A_286 = vector.multi_reduction <minsi>, %select_n3A_284, %reduce_min3A_285 [1] : vector<128x2048xi32> to vector<128xi32>
      %broadcast_in_dim3A_287 = vector.shape_cast %reduce_min3A_286 : vector<128xi32> to vector<128x1xi32>
      %eq3A_288 = vector.broadcast %broadcast_in_dim3A_287 : vector<128x1xi32> to vector<128x2048xi32>
      %eq3A_289 = arith.cmpi eq, %iota3A, %eq3A_288 : vector<128x2048xi32>
      %jit3A_290 = arith.constant -3.000000e+38 : f32
      %broadcast_in_dim3A_291 = vector.broadcast %jit3A_290 : f32 to vector<128x2048xf32>
      %select_n3A_292 = arith.select %eq3A_289, %broadcast_in_dim3A_291, %get3A_276 : vector<128x2048xi1>, vector<128x2048xf32>
      %swap3A_293 = arith.constant 0 : index
      %swap3A_294 = arith.constant 256 : index
      %swap3A_295 = arith.constant 0 : index
      %swap3A_296 = vector.load %arg7[%swap3A_293, %swap3A_294, %swap3A_295] : memref<2x512x2048xf32, #tpu.memory_space<vmem>>, vector<1x128x2048xf32>
      %swap3A_297 = vector.shape_cast %swap3A_296 : vector<1x128x2048xf32> to vector<128x2048xf32>
      %swap3A_298 = vector.shape_cast %select_n3A_292 : vector<128x2048xf32> to vector<1x128x2048xf32>
      tpu.vector_store %arg7[%swap3A_293, %swap3A_294, %swap3A_295], %swap3A_298 {strides = array<i32>} : memref<2x512x2048xf32, #tpu.memory_space<vmem>>, vector<1x128x2048xf32>,
      %eq3A_299 = vector.broadcast %add3A_201 : i32 to vector<32x128xi32>
      %eq3A_300 = arith.cmpi eq, %iota3A_32, %eq3A_299 : vector<32x128xi32>
      %add3A_301 = vector.broadcast %add3A : i32 to vector<128xi32>
      %add3A_302 = arith.addi %reduce_min3A_286, %add3A_301 : vector<128xi32>
      %broadcast_in_dim3A_303 = vector.shape_cast %add3A_302 : vector<128xi32> to vector<1x128xi32>
      %broadcast_in_dim3A_304 = vector.shape_cast %broadcast_in_dim3A_303 : vector<1x128xi32> to vector<1x128xi32>
      %broadcast_in_dim3A_305 = vector.broadcast %broadcast_in_dim3A_304 : vector<1x128xi32> to vector<32x128xi32>
      %select_n3A_306 = arith.select %eq3A_300, %broadcast_in_dim3A_305, %select_n3A_162 : vector<32x128xi1>, vector<32x128xi32>
      %get3A_307 = arith.constant 1 : index
      %get3A_308 = arith.constant 384 : index
      %get3A_309 = arith.constant 0 : index
      %get3A_310 = vector.load %arg7[%get3A_307, %get3A_308, %get3A_309] : memref<2x512x2048xf32, #tpu.memory_space<vmem>>, vector<1x128x2048xf32>
      %get3A_311 = vector.shape_cast %get3A_310 : vector<1x128x2048xf32> to vector<128x2048xf32>
      %reduce_max3A_312 = arith.constant dense<0xFF800000> : vector<128xf32>
      %reduce_max3A_313 = vector.multi_reduction <maximumf>, %get3A_311, %reduce_max3A_312 [1] : vector<128x2048xf32> to vector<128xf32>
      %broadcast_in_dim3A_314 = vector.shape_cast %reduce_max3A_313 : vector<128xf32> to vector<128x1xf32>
      %ge3A_315 = vector.broadcast %broadcast_in_dim3A_314 : vector<128x1xf32> to vector<128x2048xf32>
      %ge3A_316 = arith.cmpf oge, %get3A_311, %ge3A_315 : vector<128x2048xf32>
      %jit3A_317 = arith.constant 2048 : i32
      %broadcast_in_dim3A_318 = vector.broadcast %jit3A_317 : i32 to vector<128x2048xi32>
      %select_n3A_319 = arith.select %ge3A_316, %iota3A, %broadcast_in_dim3A_318 : vector<128x2048xi1>, vector<128x2048xi32>
      %reduce_min3A_320 = arith.constant dense<2147483647> : vector<128xi32>
      %reduce_min3A_321 = vector.multi_reduction <minsi>, %select_n3A_319, %reduce_min3A_320 [1] : vector<128x2048xi32> to vector<128xi32>
      %broadcast_in_dim3A_322 = vector.shape_cast %reduce_min3A_321 : vector<128xi32> to vector<128x1xi32>
      %eq3A_323 = vector.broadcast %broadcast_in_dim3A_322 : vector<128x1xi32> to vector<128x2048xi32>
      %eq3A_324 = arith.cmpi eq, %iota3A, %eq3A_323 : vector<128x2048xi32>
      %jit3A_325 = arith.constant -3.000000e+38 : f32
      %broadcast_in_dim3A_326 = vector.broadcast %jit3A_325 : f32 to vector<128x2048xf32>
      %select_n3A_327 = arith.select %eq3A_324, %broadcast_in_dim3A_326, %get3A_311 : vector<128x2048xi1>, vector<128x2048xf32>
      %swap3A_328 = arith.constant 0 : index
      %swap3A_329 = arith.constant 384 : index
      %swap3A_330 = arith.constant 0 : index
      %swap3A_331 = vector.load %arg7[%swap3A_328, %swap3A_329, %swap3A_330] : memref<2x512x2048xf32, #tpu.memory_space<vmem>>, vector<1x128x2048xf32>
      %swap3A_332 = vector.shape_cast %swap3A_331 : vector<1x128x2048xf32> to vector<128x2048xf32>
      %swap3A_333 = vector.shape_cast %select_n3A_327 : vector<128x2048xf32> to vector<1x128x2048xf32>
      tpu.vector_store %arg7[%swap3A_328, %swap3A_329, %swap3A_330], %swap3A_333 {strides = array<i32>} : memref<2x512x2048xf32, #tpu.memory_space<vmem>>, vector<1x128x2048xf32>,
      %eq3A_334 = vector.broadcast %add3A_201 : i32 to vector<32x128xi32>
      %eq3A_335 = arith.cmpi eq, %iota3A_32, %eq3A_334 : vector<32x128xi32>
      %add3A_336 = vector.broadcast %add3A : i32 to vector<128xi32>
      %add3A_337 = arith.addi %reduce_min3A_321, %add3A_336 : vector<128xi32>
      %broadcast_in_dim3A_338 = vector.shape_cast %add3A_337 : vector<128xi32> to vector<1x128xi32>
      %broadcast_in_dim3A_339 = vector.shape_cast %broadcast_in_dim3A_338 : vector<1x128xi32> to vector<1x128xi32>
      %broadcast_in_dim3A_340 = vector.broadcast %broadcast_in_dim3A_339 : vector<1x128xi32> to vector<32x128xi32>
      %select_n3A_341 = arith.select %eq3A_335, %broadcast_in_dim3A_340, %select_n3A_197 : vector<32x128xi1>, vector<32x128xi32>
      scf.yield %select_n3A_236, %select_n3A_271, %select_n3A_306, %select_n3A_341 : vector<32x128xi32>, vector<32x128xi32>, vector<32x128xi32>, vector<32x128xi32>
    }
    %scan3A_49 = arith.constant 15 : i32
    %concatenate3A = tpu.concatenate %scan3A_48#0, %scan3A_48#1, %scan3A_48#2, %scan3A_48#3 in 1 : vector<32x128xi32>, vector<32x128xi32>, vector<32x128xi32>, vector<32x128xi32> -> vector<32x512xi32>
    %transpose3A_50 = tpu.transpose %concatenate3A, [1, 0] : vector<32x512xi32> -> vector<512x32xi32>
    %slice3A = vector.extract_strided_slice %transpose3A_50 {offsets = [0, 0], sizes = [512, 30], strides = [1, 1]} : vector<512x32xi32> to vector<512x30xi32>
    %swap3A_51 = arith.constant 0 : index
    %swap3A_52 = arith.constant 0 : index
    %swap3A_53 = arith.constant 0 : index
    %swap3A_54 = vector.load %arg5[%swap3A_51, %swap3A_52, %swap3A_53] : memref<1x512x30xi32, #tpu.memory_space<vmem>>, vector<1x512x30xi32>
    %swap3A_55 = vector.shape_cast %swap3A_54 : vector<1x512x30xi32> to vector<512x30xi32>
    %swap3A_56 = vector.shape_cast %slice3A : vector<512x30xi32> to vector<1x512x30xi32>
    tpu.vector_store %arg5[%swap3A_51, %swap3A_52, %swap3A_53], %swap3A_56 {strides = array<i32>} : memref<1x512x30xi32, #tpu.memory_space<vmem>>, vector<1x512x30xi32>,
    return
  }
  func.func @transform_0(%arg0: i32, %arg1: i32) -> i32 {
    %c0_i32 = arith.constant 0 : i32
    %c0_i32_0 = arith.constant 0 : i32
    return %c0_i32 : i32
  }
  func.func @transform_1(%arg0: i32, %arg1: i32) -> (i32, i32, i32) {
    %c0_i32 = arith.constant 0 : i32
    %c0_i32_0 = arith.constant 0 : i32
    return %arg0, %c0_i32, %arg1 : i32, i32, i32
  }
  func.func @transform_2(%arg0: i32, %arg1: i32) -> (i32, i32, i32) {
    %c0_i32 = arith.constant 0 : i32
    %c0_i32_0 = arith.constant 0 : i32
    %c0_i32_1 = arith.constant 0 : i32
    return %arg0, %c0_i32, %c0_i32_0 : i32, i32, i32
  }
  func.func @transform_3(%arg0: i32, %arg1: i32) -> (i32, i32, i32) {
    %c0_i32 = arith.constant 0 : i32
    %c0_i32_0 = arith.constant 0 : i32
    return %arg0, %arg1, %c0_i32 : i32, i32, i32
  }
  func.func @transform_4(%arg0: i32, %arg1: i32) -> (i32, i32, i32) {
    %c0_i32 = arith.constant 0 : i32
    %c0_i32_0 = arith.constant 0 : i32
    return %arg0, %arg1, %c0_i32 : i32, i32, i32
  }
}

</mosaic_0001>

<sc_bundles>
// kernel: kernel.10.cloned.1.call-start
scs
__scs_entry_jumppad:
0x0: {  	(pc) =	sbr.rel $0x88, $3  }
0x1: {  	(tag) =	ssettag $0x0;
	lr =	simm.s32 $0x1  }
0x2: {  	[smem:$0x3F9F] =	sst lr;
	_ =	strace $0xD0000000  }
0x3: {  	_ = 	snop  }
0x4: {  	_ = 	snop  }
0x5: {  	_ = 	snop  }
0x6: {  	_ = 	snop  }
0x7: {  	_ = 	snop  }
__scs_overlays_trampoline_lowered:
0x8: {  	[smem:$0x3FAE] =	sst s0  }
0x9: {  	[smem:$0x3FAF] =	sst s1  }
0xa: {  	[smem:$0x3FB0] =	sst s2  }
0xb: {  	[smem:$0x3FB1] =	sst s3  }
0xc: {  	[smem:$0x3FB2] =	sst s4  }
0xd: {  	[smem:$0x3FB3] =	sst s5  }
0xe: {  	[smem:$0x3FB4] =	sst s6  }
0xf: {  	[smem:$0x3FB5] =	sst s7  }
0x10: {  	[smem:$0x3FB6] =	sst s8  }
0x11: {  	[smem:$0x3FB7] =	sst s9;
	s0 =	simm.s32 @!p0 $0x0  }
0x12: {  	s1 =	sld [smem:$0x3F9D];
	s0 =	simm.s32 @p0 $0x1  }
0x13: {  	[smem:$0x3FB8] =	sst s0;
	s0 =	simm.s32 @!p1 $0x0  }
0x14: {  	s2 =	sld [smem:$0x3F9C];
	s0 =	simm.s32 @p1 $0x1  }
0x15: {  	[smem:$0x3FB9] =	sst s0;
	s0 =	simm.s32 @!p2 $0x0  }
0x16: {  	s3 =	sld [smem:$0x3FDB];
	s0 =	simm.s32 @p2 $0x1  }
0x17: {  	s4 =	simm.s32 $0x1BF5;
	[smem:$0x3FBB] =	sst s0  }
0x18: {  	s0 =	sld [smem:$0x3F9E];
	_ =	swait.ge [sflag:s4], $0x0  }
0x19: {  	s7 =	sld [smem:$0x3F9F]  }
0x1a: {  	s8 =	sadd.s32 $0xFFFFE003, lr  }
0x1b: {  	s9 =	sadd.s32 $0xFFFFFEF7, lr;
	s5 =	simm.s32 $0xFFFFFFFF;
	p2 =	slt.u32 s8, $0xFFFFF086  }
0x1c: {  	p1 =	slt.u32 s9, $0xF7A;
	s5 =	simm.s32 @!p2 $0x0  }
0x1d: {  	s5 =	simm.s32 @p1 $0x1;
	p0 =	seq.s32 s7, s2  }
0x1e: {  	s7 =	smul.u32 @!p0 $0xF7A, s2;
	p2 =	seq.s32 @!p0 s5, $0x0  }
0x1f: {  	s9 =	smul.u32 $0xF7A, s1;
	s8 =	simm.s32 @!p0 $0x1BF5;
	p2 =	por !p2, p0  }
0x20: {  	[sflag:s8] =	ssyncset.s32 @!p0 $0xFFFFF086;
	s6 =	sadd.s32 @!p0 s3, s7;
	s7 =	simm.s32 @!p0 $0x108  }
0x21: {  	s3 =	sadd.s32 s3, s9;
	s6 =	sadd.s32 @!p0 $0x88, s6;
	s7 =	simm.s32 @p2 $0x1082  }
0x22: {  	[simem:s7], [sflag:s8] =	dma.local @!p0 [hbm:s6], $0xF7A  }
0x23: {  	s9 =	sor.u32 $0xD0000000, s2;
	s6 =	simm.s32 $0x108;
	_ =	swait.ge @!p0 [sflag:s8], $0x0  }
0x24: {  	s3 =	sadd.s32 $0x88, s3;
	s6 =	simm.s32 @!p1 $0x1082;
	[sflag:s4] =	ssyncset.s32 $0xFFFFF086  }
0x25: {  	[simem:s6], [sflag:s4] =	dma.local [hbm:s3], $0xF7A  }
0x26: {  	[smem:$0x3F9F] =	sst s1;
	(tag) =	ssettag s2;
	_ =	strace s9  }
0x27: {  	s1 =	sld [smem:$0x3FAF]  }
0x28: {  	s2 =	sld [smem:$0x3FB0]  }
0x29: {  	s4 =	sld [smem:$0x3FB2]  }
0x2a: {  	p0 =	seq.s32 s5, $0x0;
	s5 =	sld [smem:$0x3FB3]  }
0x2b: {  	s6 =	sld [smem:$0x3FB4]  }
0x2c: {  	s7 =	sld [smem:$0x3FB5]  }
0x2d: {  	s3 =	simm.s32 $0x108;
	s8 =	sld [smem:$0x3FB6]  }
0x2e: {  	s3 =	simm.s32 @!p0 $0x1082;
	s9 =	sld [smem:$0x3FB7]  }
0x2f: {  	lr =	sadd.s32 s0, s3;
	s0 =	sld [smem:$0x3FAE]  }
0x30: {  	s3 =	sld [smem:$0x3FB1]  }
0x31: {  	[smem:$0x3FBA] =	sst s10  }
0x32: {  	s10 =	sld [smem:$0x3FB8];
	_ =	sdelay $0x3  }
0x33: {  	p0 =	seq.s32 s10, $0x1;
	s10 =	sld [smem:$0x3FBA];
	_ =	sdelay $0x3  }
0x34: {  	[smem:$0x3FBA] =	sst s10  }
0x35: {  	s10 =	sld [smem:$0x3FB9];
	_ =	sdelay $0x3  }
0x36: {  	p1 =	seq.s32 s10, $0x1;
	s10 =	sld [smem:$0x3FBA];
	_ =	sdelay $0x3  }
0x37: {  	[smem:$0x3FBA] =	sst s10  }
0x38: {  	s10 =	sld [smem:$0x3FBB]  }
0x39: {  	_ = 	snop;
	(pc) =	sbr.ind lr, $3  }
0x3a: {  	_ = 	snop  }
0x3b: {  	_ = 	snop  }
0x3c: {  	p2 =	seq.s32 s10, $0x1;
	s10 =	sld [smem:$0x3FBA]  }
0x3d: {  	_ =	shalt  }
0x3e: {  	_ =	shalt  }
0x3f: {  	_ =	shalt  }
0x40: {  	_ =	shalt  }
0x41: {  	_ =	shalt  }
0x42: {  	_ =	shalt  }
0x43: {  	_ =	shalt  }
0x44: {  	_ =	shalt  }
0x45: {  	_ =	shalt  }
0x46: {  	_ =	shalt  }
0x47: {  	_ =	shalt  }
0x48: {  	_ =	shalt  }
0x49: {  	_ =	shalt  }
0x4a: {  	_ =	shalt  }
0x4b: {  	_ =	shalt  }
0x4c: {  	_ =	shalt  }
0x4d: {  	_ =	shalt  }
0x4e: {  	_ =	shalt  }
0x4f: {  	_ =	shalt  }
0x50: {  	_ =	shalt  }
0x51: {  	_ =	shalt  }
0x52: {  	_ =	shalt  }
0x53: {  	_ =	shalt  }
0x54: {  	_ =	shalt  }
0x55: {  	_ =	shalt  }
0x56: {  	_ =	shalt  }
0x57: {  	_ =	shalt  }
0x58: {  	_ =	shalt  }
0x59: {  	_ =	shalt  }
0x5a: {  	_ =	shalt  }
0x5b: {  	_ =	shalt  }
0x5c: {  	_ =	shalt  }
0x5d: {  	_ =	shalt  }
0x5e: {  	_ =	shalt  }
0x5f: {  	_ =	shalt  }
0x60: {  	_ =	shalt  }
0x61: {  	_ =	shalt  }
0x62: {  	_ =	shalt  }
0x63: {  	_ =	shalt  }
0x64: {  	_ =	shalt  }
0x65: {  	_ =	shalt  }
0x66: {  	_ =	shalt  }
0x67: {  	_ =	shalt  }
0x68: {  	_ =	shalt  }
0x69: {  	_ =	shalt  }
0x6a: {  	_ =	shalt  }
0x6b: {  	_ =	shalt  }
0x6c: {  	_ =	shalt  }
0x6d: {  	_ =	shalt  }
0x6e: {  	_ =	shalt  }
0x6f: {  	_ =	shalt  }
0x70: {  	_ =	shalt  }
0x71: {  	_ =	shalt  }
0x72: {  	_ =	shalt  }
0x73: {  	_ =	shalt  }
0x74: {  	_ =	shalt  }
0x75: {  	_ =	shalt  }
0x76: {  	_ =	shalt  }
0x77: {  	_ =	shalt  }
0x78: {  	_ =	shalt  }
0x79: {  	_ =	shalt  }
0x7a: {  	_ =	shalt  }
0x7b: {  	_ =	shalt  }
0x7c: {  	_ =	shalt  }
0x7d: {  	_ =	shalt  }
0x7e: {  	_ =	shalt  }
0x7f: {  	_ =	shalt  }
0x80: {  	_ =	shalt  }
0x81: {  	_ =	shalt  }
0x82: {  	_ =	shalt  }
0x83: {  	_ =	shalt  }
0x84: {  	_ =	shalt  }
0x85: {  	_ =	shalt  }
0x86: {  	_ =	shalt  }
0x87: {  	_ =	shalt  }
.Lfunc_end0:
.L_simem_size_0:
called_computation_lowered:
.L_overlay_start_0:
0x88: {  	s2 =	sld [smem:$0x3FD9]  }
0x89: {  	s3 =	sld [smem:$0x3FFE];
	_ =	sdelay $0x1  }
0x8a: {  	s1 =	srdreg.scid  }
0x8b: {  	s0 =	sand.u32 $0x1, s1  }
0x8c: {  	s17 =	sshll.u32 s0, $0xA;
	s2 =	sadd.s32 s3, s2  }
0x8d: {  	s2 =	sadd.s32 s2, s17  }
0x8e: {  	[smem:$0x3FC6] =	sst s2  }
0x8f: {  	_ = 	snop  }
0x90: {  	s2 =	sld [smem:$0x3FD0];
	(tm) =	ssettm $0x1  }
0x91: {  	s18 =	sld [smem:$0x3FFB];
	_ =	sdelay $0x3  }
0x92: {  	_ =	strace s18  }
0x93: {  	s3 =	sld [smem:$0x3FFC];
	_ =	sdelay $0x3  }
0x94: {  	_ =	strace s3  }
0x95: {  	s3 =	sld [smem:$0x3FFD];
	_ =	sdelay $0x3  }
0x96: {  	_ =	strace s3  }
0x97: {  	_ =	strace $0x8FFFFFFF  }
0x98: {  	s19 =	sld [smem:$0x3FDB];
	_ =	sdelay $0x1  }
0x99: {  	s4 =	simm.s32 $_scs_section_size  }
0x9a: {  	s5 =	simm.s32 $_size__tile_overlayer_lowered;
	s6 =	simm.s32 $_tile_overlayer_lowered  }
0x9b: {  	s22 =	simm.s32 $0x1BFF;
	s21 =	sshll.u32 s6, $0x1;
	s3 =	sadd.s32 s4, s19  }
0x9c: {  	s7 =	simm.s32 $0x0;
	s20 =	sshll.u32 s5, $0x1;
	s5 =	sadd.s32 s21, s3  }
0x9d: {  	[timem:s7], [sflag:s22] =	dma.local [hbm:s5], s20  }
0x9e: {  	_ =	swait.ge [sflag:s22], s20  }
0x9f: {  	s4 =	ssub.s32 $0x0, s20;
	[sflag:s22] =	ssyncset.done $0x0  }
0xa0: {  	[sflag:s22] =	ssyncadd.s32 s4;
	_ =	sdelay $0x1  }
0xa1: {  	s23 =	simm.s32 $0x1B8B  }
0xa2: {  	_ =	swait.ge [sflag:s23], $0x1  }
0xa3: {  	[sflag:s23] =	ssyncset.done $0x0  }
0xa4: {  	s25 =	simm.s32 $0x1B8E;
	s24 =	sld [smem:$0x3FFE];
	[sflag:s23] =	ssyncadd.s32 $0xFFFFFFFF  }
0xa5: {  	s26 =	simm.s32 $execute0_lowered;
	[smem:$0x3FD2] =	sst s25  }
0xa6: {  	s5 =	sshll.u32 s26, $0x1;
	_ =	strace $0x80000046;
	[dreg:$0x1] =	wrdreg $0xFFFFFFFF  }
0xa7: {  	s28 =	simm.s32 $_size_execute0_lowered;
	s3 =	sadd.s32 s3, s5;
	[dreg:$0x0] =	wrdreg $0x0  }
0xa8: {  	s5 =	sshll.u32 s28, $0x1;
	[dreg:$0x2] =	wrdreg s3  }
0xa9: {  	[dreg:$0x3] =	wrdreg s5  }
0xaa: {  	[dreg:$0x4] =	wrdreg $0xC0  }
0xab: {  	_ =	task [dreg:s7], $0x5FFFF  }
0xac: {  	[dreg:$0x1] =	wrdreg $0xFFFFFFFF  }
0xad: {  	[dreg:$0x0] =	wrdreg $0x60  }
0xae: {  	[dreg:$0x2] =	wrdreg s2  }
0xaf: {  	[dreg:$0x3] =	wrdreg s24  }
0xb0: {  	[dreg:$0x4] =	wrdreg $0x9  }
0xb1: {  	_ =	task.clear_ibuf [dreg:s7], $0x5FFFF;
	_ =	strace $0x90000046  }
0xb2: {  	s29 =	simm.s32 $0x9;
	_ =	strace $0x80000048  }
0xb3: {  	_ =	swait.ge [sflag:s29], $0x1  }
0xb4: {  	[sflag:s29] =	ssyncadd.s32 $0xFFFFFFFF  }
0xb5: {  	_ =	strace $0x90000048  }
0xb6: {  	_ =	sfence  }
0xb7: {  	s30 =	sld [smem:$0x0];
	_ =	sdelay $0x2  }
0xb8: {  	s31 =	sshll.u32 s1, $0xD;
	s1 =	sshrl.u32 s1, $0x2  }
0xb9: {  	s3 =	sand.u32 $0x4000, s31;
	s1 =	sadd.s32 s1, s30  }
0xba: {  	s0 =	sor.u32 s3, s0;
	s1 =	sshll.u32 s1, $0x11  }
0xbb: {  	s0 =	sor.u32 s1, s0  }
0xbc: {  	s0 =	sadd.s32 $0x8F2B, s0  }
0xbd: {  	[sflag:s0] =	ssyncadd.remote.s32 $0x1  }
0xbe: {  	_ =	sfence.sel $0xFFFF  }
0xbf: {  	[dreg:$0x0] =	wrdreg $0xFFFFFFFF;
	(pc) =	sbr.abs _section_cstart, $3  }
0xc0: {  	[dreg:$0x1] =	wrdreg $0xFFFFFFFF  }
0xc1: {  	_ =	task.clear_ibuf [dreg:s7], $0x2FFFF;
	_ =	strace $0x9FFFFFFF  }
0xc2: {  	(tm) =	ssettm $0x7FFFFFFF  }
0xc3: {  	_ =	shalt  }
tec
execute0_lowered:
.L_overlay_start_1:
0x0: {  	(tag) =	ssettag $0x1  }
0x1: {  	s1 =	srdreg.scid  }
0x2: {  	s0 =	stileid.u32;
	s2 =	rddreg [dreg:$0x0]  }
0x3: {  	s4 =	rddreg [dreg:$0x1];
	s3 =	simm.s32 $0x0;
	s15 =	simm.s32 $0x2F00  }
0x4: {  	s16 =	simm.s32 $0x100;
	s17 =	simm.s32 $0x4F00;
	s18 =	simm.s32 $0x1  }
0x5: {  	s19 =	simm.s32 $0x2;
	s20 =	simm.s32 $0x3;
	s9 =	smul.u32 $0x3C, s0  }
0x6: {  	s21 =	simm.s32 $0x0;
	s8 =	sand.u32 $0x1, s1;
	s31 =	smul.u32 $0xF000, s0  }
0x7: {  	s26 =	sshll.u32 s0, $0x1;
	s1 =	rddreg [dreg:$0x2];
	s11 =	smul.u32 $0x1E, s8  }
0x8: {  	[smem:$0x7FF] =	sst s3;
	s5 =	sor.u32 s8, s26;
	s14 =	smul.u32 $0x7800, s8  }
0x9: {  	s12 =	sadd.s32 $0x7800, s4;
	s28 =	ssub.s32 $0x2, s8;
	s6 =	smul.u32 $0x1E0, s5  }
0xa: {  	_ =	strace $0x80000047;
	s7 =	smul.u32 $0x7800, s5;
	s10 =	sshrl.u32 s28, $0x1  }
0xb: {  	s5 =	ssub.s32 s28, s10;
	s30 =	sadd.s32 s11, s9;
	s11 =	sadd.s32 s31, s12  }
0xc: {  	s6 =	sadd.s32 s6, s4;
	s5 =	smax.u32 s5, $0x1;
	s29 =	sadd.s32 s12, s7  }
0xd: {  	s9 =	sshll.u32 s30, $0xA;
	s11 =	sadd.s32 s14, s11;
	s14 =	simm.s32 $0xF00  }
0xe: {  	s4 =	sadd.s32 $0x3C00, s6;
	s6 =	sadd.s32 $0x6C00, s29;
	s7 =	sadd.s32 $0x7000, s29  }
0xf: {  	s13 =	sadd.s32 s9, s12;
	s8 =	sadd.s32 $0x7400, s29;
	s12 =	simm.s32 $0x4  }
0x10: {  	s9 =	sadd.s32 $0x800, s13;
	s10 =	sadd.s32 $0x400, s13;
	s13 =	simm.s32 $0x80  }
.LBB2_1:
0x11: {  	[tilespmem:s3], [sflag:$0x4] =	stream.linear.gather [hbm4b:s4+s3], $0xF00, $0x38;
	[tilespmem:$0x6F00] =	vst v63  }
0x12: {  	_ =	swait.ge [sflag:s12], $0xF00  }
0x13: {  	[sflag:s12] =	ssyncset.done $0x0  }
0x14: {  	[sflag:s12] =	ssyncadd.s32 $0xFFFFF100  }
0x15: {  	[tilespmem:s14], [sflag:$0x1] =	stream.indirect.gather [hbm4b:s2+s13], $0x40, s3, s13, $0xb8;
	[tilespmem:$0x6F00] =	vst v63  }
0x16: {  	_ = 	snop  }
0x17: {  	[tilespmem:s15], [sflag:$0x2] =	stream.indirect.gather [hbm4b:s2+s13], $0x40, s13, s13, $0xb8;
	[tilespmem:$0x6F00] =	vst v63  }
0x18: {  	_ = 	snop  }
0x19: {  	[tilespmem:s17], [sflag:$0x3] =	stream.indirect.gather [hbm4b:s2+s13], $0x40, s16, s13, $0xb8;
	[tilespmem:$0x6F00] =	vst v63  }
0x1a: {  	_ =	swait.ge [sflag:s18], $0x2000  }
0x1b: {  	[sflag:s18] =	ssyncset.done $0x0  }
0x1c: {  	s22 =	sadd.s32 $0x0, s11;
	[sflag:s18] =	ssyncadd.s32 $0xFFFFE000  }
0x1d: {  	[hbm4b:s22+s3] =	stream.linear.scatter [tilespmem:s14], [sflag:$0x4], $0x2000, $0x38;
	[tilespmem:$0x6F00] =	vst v63  }
0x1e: {  	_ =	swait.ge [sflag:s12], $0x2000  }
0x1f: {  	[sflag:s12] =	ssyncset.done $0x0  }
0x20: {  	s28 =	simm.s32 $0x180;
	[sflag:s12] =	ssyncadd.s32 $0xFFFFE000  }
0x21: {  	[tilespmem:s14], [sflag:$0x1] =	stream.indirect.gather [hbm4b:s2+s13], $0x40, s28, s13, $0xb8;
	[tilespmem:$0x6F00] =	vst v63  }
0x22: {  	_ =	swait.ge [sflag:s19], $0x2000  }
0x23: {  	[sflag:s19] =	ssyncset.done $0x0  }
0x24: {  	s29 =	sadd.s32 $0x0, s10;
	[sflag:s19] =	ssyncadd.s32 $0xFFFFE000  }
0x25: {  	[hbm4b:s29+s3] =	stream.linear.scatter [tilespmem:s15], [sflag:$0x4], $0x2000, $0x38;
	[tilespmem:$0x6F00] =	vst v63  }
0x26: {  	_ =	swait.ge [sflag:s12], $0x2000  }
0x27: {  	[sflag:s12] =	ssyncset.done $0x0  }
0x28: {  	s30 =	simm.s32 $0x200;
	[sflag:s12] =	ssyncadd.s32 $0xFFFFE000  }
0x29: {  	[tilespmem:s15], [sflag:$0x2] =	stream.indirect.gather [hbm4b:s2+s13], $0x40, s30, s13, $0xb8;
	[tilespmem:$0x6F00] =	vst v63  }
0x2a: {  	_ =	swait.ge [sflag:s20], $0x2000  }
0x2b: {  	[sflag:s20] =	ssyncset.done $0x0  }
0x2c: {  	s31 =	sadd.s32 $0x0, s9;
	[sflag:s20] =	ssyncadd.s32 $0xFFFFE000  }
0x2d: {  	[hbm4b:s31+s3] =	stream.linear.scatter [tilespmem:s17], [sflag:$0x4], $0x2000, $0x38;
	[tilespmem:$0x6F00] =	vst v63  }
0x2e: {  	_ =	swait.ge [sflag:s12], $0x2000  }
0x2f: {  	s23 =	simm.s32 $0xC00;
	[sflag:s12] =	ssyncset.done $0x0  }
0x30: {  	s24 =	simm.s32 $0x400;
	s22 =	simm.s32 $0x280;
	[sflag:s12] =	ssyncadd.s32 $0xFFFFE000  }
.LBB2_2:
0x31: {  	[tilespmem:s17], [sflag:$0x3] =	stream.indirect.gather [hbm4b:s2+s13], $0x40, s22, s13, $0xb8;
	[tilespmem:$0x6F00] =	vst v63  }
0x32: {  	s25 =	smov.u32 s23;
	s22 =	smov.u32 s24  }
0x33: {  	p0 =	sne.s32 s23, $0x6000;
	s23 =	sadd.s32 $0xC00, s23;
	_ =	swait.ge [sflag:s18], $0x2000  }
0x34: {  	[sflag:s18] =	ssyncset.done $0x0  }
0x35: {  	s26 =	sadd.s32 s25, s11;
	[sflag:s18] =	ssyncadd.s32 $0xFFFFE000  }
0x36: {  	[hbm4b:s26+s3] =	stream.linear.scatter [tilespmem:s14], [sflag:$0x4], $0x2000, $0x38;
	[tilespmem:$0x6F00] =	vst v63  }
0x37: {  	_ =	swait.ge [sflag:s12], $0x2000  }
0x38: {  	[sflag:s12] =	ssyncset.done $0x0  }
0x39: {  	s26 =	sadd.s32 $0xFFFFFF00, s24;
	[sflag:s12] =	ssyncadd.s32 $0xFFFFE000  }
0x3a: {  	[tilespmem:s14], [sflag:$0x1] =	stream.indirect.gather [hbm4b:s2+s13], $0x40, s26, s13, $0xb8;
	[tilespmem:$0x6F00] =	vst v63  }
0x3b: {  	_ =	swait.ge [sflag:s19], $0x2000  }
0x3c: {  	[sflag:s19] =	ssyncset.done $0x0  }
0x3d: {  	s26 =	sadd.s32 s25, s10;
	[sflag:s19] =	ssyncadd.s32 $0xFFFFE000  }
0x3e: {  	[hbm4b:s26+s3] =	stream.linear.scatter [tilespmem:s15], [sflag:$0x4], $0x2000, $0x38;
	[tilespmem:$0x6F00] =	vst v63  }
0x3f: {  	_ =	swait.ge [sflag:s12], $0x2000  }
0x40: {  	[sflag:s12] =	ssyncset.done $0x0  }
0x41: {  	s26 =	sadd.s32 $0xFFFFFF80, s24;
	[sflag:s12] =	ssyncadd.s32 $0xFFFFE000  }
0x42: {  	[tilespmem:s15], [sflag:$0x2] =	stream.indirect.gather [hbm4b:s2+s13], $0x40, s26, s13, $0xb8;
	[tilespmem:$0x6F00] =	vst v63  }
0x43: {  	_ =	swait.ge [sflag:s20], $0x2000  }
0x44: {  	[sflag:s20] =	ssyncset.done $0x0  }
.Ltmp0:
0x45: {  	s25 =	sadd.s32 s25, s9;
	[sflag:s20] =	ssyncadd.s32 $0xFFFFE000;
	(pc) =	sbr.rel @p0 .LBB2_2-.Ltmp0, $4  }
0x46: {  	[hbm4b:s25+s3] =	stream.linear.scatter [tilespmem:s17], [sflag:$0x4], $0x2000, $0x38;
	[tilespmem:$0x6F00] =	vst v63  }
0x47: {  	_ =	swait.ge [sflag:s12], $0x2000  }
0x48: {  	[sflag:s12] =	ssyncset.done $0x0  }
0x49: {  	s24 =	sadd.s32 $0x180, s24;
	[sflag:s12] =	ssyncadd.s32 $0xFFFFE000  }
0x4a: {  	[tilespmem:s17], [sflag:$0x3] =	stream.indirect.gather [hbm4b:s2+s13], $0x40, s22, s13, $0xb8;
	[tilespmem:$0x6F00] =	vst v63  }
0x4b: {  	_ =	swait.ge [sflag:s18], $0x2000  }
0x4c: {  	[sflag:s18] =	ssyncset.done $0x0  }
0x4d: {  	[sflag:s18] =	ssyncadd.s32 $0xFFFFE000  }
0x4e: {  	[hbm4b:s6+s3] =	stream.linear.scatter [tilespmem:s14], [sflag:$0x4], $0x2000, $0x38;
	[tilespmem:$0x6F00] =	vst v63  }
0x4f: {  	_ =	swait.ge [sflag:s12], $0x2000  }
0x50: {  	[sflag:s12] =	ssyncset.done $0x0  }
0x51: {  	[sflag:s12] =	ssyncadd.s32 $0xFFFFE000  }
0x52: {  	_ =	swait.ge [sflag:s19], $0x2000  }
0x53: {  	[sflag:s19] =	ssyncset.done $0x0  }
0x54: {  	[sflag:s19] =	ssyncadd.s32 $0xFFFFE000  }
0x55: {  	[hbm4b:s7+s3] =	stream.linear.scatter [tilespmem:s15], [sflag:$0x4], $0x2000, $0x38;
	[tilespmem:$0x6F00] =	vst v63  }
0x56: {  	_ =	swait.ge [sflag:s12], $0x2000  }
0x57: {  	[sflag:s12] =	ssyncset.done $0x0  }
0x58: {  	[sflag:s12] =	ssyncadd.s32 $0xFFFFE000  }
0x59: {  	s21 =	sadd.s32 $0x1, s21;
	_ =	swait.ge [sflag:s20], $0x2000  }
0x5a: {  	p0 =	sne.s32 s21, s5;
	[sflag:s20] =	ssyncset.done $0x0  }
.Ltmp1:
0x5b: {  	[sflag:s20] =	ssyncadd.s32 $0xFFFFE000;
	(pc) =	sbr.rel @p0 .LBB2_1-.Ltmp1, $4  }
0x5c: {  	[hbm4b:s8+s3] =	stream.linear.scatter [tilespmem:s17], [sflag:$0x4], $0x2000, $0x38;
	[tilespmem:$0x6F00] =	vst v63  }
0x5d: {  	_ =	swait.ge [sflag:s12], $0x2000  }
0x5e: {  	[sflag:s12] =	ssyncset.done $0x0  }
0x5f: {  	[sflag:s12] =	ssyncadd.s32 $0xFFFFE000  }
0x60: {  	_ =	sfence.sel $0x180000  }
0x61: {  	[bflag:$0x0] =	sbarrier.arrive $0xFFFF  }
0x62: {  	p0 =	sne.s32 s0, $0x0;
	_ =	strace $0x90000047  }
0x63: {  	s0 =	sadd.s32 @!p0 $0x100000, s1;
	[bflag:$0x2] =	sbarrier.arrive $0xFFFF  }
0x64: {  	[sflag:s0] =	ssyncadd.tile.s32 @!p0 $0x1;
	_ =	shalt  }
.Lfunc_end2:
_tile_overlayer_lowered:
.L_overlay_start_2:
0x65: {  	(tag) =	ssettag $0x2  }
0x66: {  	s0 =	rddreg [dreg:$0x0];
	s2 =	stileid.u32  }
0x67: {  	s1 =	rddreg [dreg:$0x1];
	p0 =	sne.s32 s2, $0x0  }
0x68: {  	s3 =	rddreg [dreg:$0x2];
	[bflag:$0x3] =	sbarrier.arrive $0xFFFF;
	s2 =	simm.s32 @!p0 $0x1C04  }
0x69: {  	[timem:s3], [sflag:s2] =	dma.local @!p0 [hbm:s0], s1  }
0x6a: {  	s0 =	simm.s32 @!p0 $0x4  }
0x6b: {  	_ =	swait.ge @!p0 [sflag:s0], s1  }
0x6c: {  	s1 =	ssub.s32 @!p0 $0x0, s1;
	[sflag:s0] =	ssyncset.done @!p0 $0x0  }
0x6d: {  	[sflag:s0] =	ssyncadd.s32 @!p0 s1  }
0x6e: {  	[bflag:$0x3] =	sbarrier.arrive $0xFFFF  }
0x6f: {  	_ =	shalt  }

// kernel: kernel.13.cloned.1.call-start
scs
__scs_entry_jumppad:
0x0: {  	(pc) =	sbr.rel $0x88, $3  }
0x1: {  	(tag) =	ssettag $0x0;
	lr =	simm.s32 $0x1  }
0x2: {  	[smem:$0x3F9F] =	sst lr;
	_ =	strace $0xD0000000  }
0x3: {  	_ = 	snop  }
0x4: {  	_ = 	snop  }
0x5: {  	_ = 	snop  }
0x6: {  	_ = 	snop  }
0x7: {  	_ = 	snop  }
__scs_overlays_trampoline_lowered:
0x8: {  	[smem:$0x3FAE] =	sst s0  }
0x9: {  	[smem:$0x3FAF] =	sst s1  }
0xa: {  	[smem:$0x3FB0] =	sst s2  }
0xb: {  	[smem:$0x3FB1] =	sst s3  }
0xc: {  	[smem:$0x3FB2] =	sst s4  }
0xd: {  	[smem:$0x3FB3] =	sst s5  }
0xe: {  	[smem:$0x3FB4] =	sst s6  }
0xf: {  	[smem:$0x3FB5] =	sst s7  }
0x10: {  	[smem:$0x3FB6] =	sst s8  }
0x11: {  	[smem:$0x3FB7] =	sst s9;
	s0 =	simm.s32 @!p0 $0x0  }
0x12: {  	s1 =	sld [smem:$0x3F9D];
	s0 =	simm.s32 @p0 $0x1  }
0x13: {  	[smem:$0x3FB8] =	sst s0;
	s0 =	simm.s32 @!p1 $0x0  }
0x14: {  	s2 =	sld [smem:$0x3F9C];
	s0 =	simm.s32 @p1 $0x1  }
0x15: {  	[smem:$0x3FB9] =	sst s0;
	s0 =	simm.s32 @!p2 $0x0  }
0x16: {  	s3 =	sld [smem:$0x3FDB];
	s0 =	simm.s32 @p2 $0x1  }
0x17: {  	s4 =	simm.s32 $0x1BF5;
	[smem:$0x3FBB] =	sst s0  }
0x18: {  	s0 =	sld [smem:$0x3F9E];
	_ =	swait.ge [sflag:s4], $0x0  }
0x19: {  	s7 =	sld [smem:$0x3F9F]  }
0x1a: {  	s8 =	sadd.s32 $0xFFFFE003, lr  }
0x1b: {  	s9 =	sadd.s32 $0xFFFFFEF7, lr;
	s5 =	simm.s32 $0xFFFFFFFF;
	p2 =	slt.u32 s8, $0xFFFFF086  }
0x1c: {  	p1 =	slt.u32 s9, $0xF7A;
	s5 =	simm.s32 @!p2 $0x0  }
0x1d: {  	s5 =	simm.s32 @p1 $0x1;
	p0 =	seq.s32 s7, s2  }
0x1e: {  	s7 =	smul.u32 @!p0 $0xF7A, s2;
	p2 =	seq.s32 @!p0 s5, $0x0  }
0x1f: {  	s9 =	smul.u32 $0xF7A, s1;
	s8 =	simm.s32 @!p0 $0x1BF5;
	p2 =	por !p2, p0  }
0x20: {  	[sflag:s8] =	ssyncset.s32 @!p0 $0xFFFFF086;
	s6 =	sadd.s32 @!p0 s3, s7;
	s7 =	simm.s32 @!p0 $0x108  }
0x21: {  	s3 =	sadd.s32 s3, s9;
	s6 =	sadd.s32 @!p0 $0x88, s6;
	s7 =	simm.s32 @p2 $0x1082  }
0x22: {  	[simem:s7], [sflag:s8] =	dma.local @!p0 [hbm:s6], $0xF7A  }
0x23: {  	s9 =	sor.u32 $0xD0000000, s2;
	s6 =	simm.s32 $0x108;
	_ =	swait.ge @!p0 [sflag:s8], $0x0  }
0x24: {  	s3 =	sadd.s32 $0x88, s3;
	s6 =	simm.s32 @!p1 $0x1082;
	[sflag:s4] =	ssyncset.s32 $0xFFFFF086  }
0x25: {  	[simem:s6], [sflag:s4] =	dma.local [hbm:s3], $0xF7A  }
0x26: {  	[smem:$0x3F9F] =	sst s1;
	(tag) =	ssettag s2;
	_ =	strace s9  }
0x27: {  	s1 =	sld [smem:$0x3FAF]  }
0x28: {  	s2 =	sld [smem:$0x3FB0]  }
0x29: {  	s4 =	sld [smem:$0x3FB2]  }
0x2a: {  	p0 =	seq.s32 s5, $0x0;
	s5 =	sld [smem:$0x3FB3]  }
0x2b: {  	s6 =	sld [smem:$0x3FB4]  }
0x2c: {  	s7 =	sld [smem:$0x3FB5]  }
0x2d: {  	s3 =	simm.s32 $0x108;
	s8 =	sld [smem:$0x3FB6]  }
0x2e: {  	s3 =	simm.s32 @!p0 $0x1082;
	s9 =	sld [smem:$0x3FB7]  }
0x2f: {  	lr =	sadd.s32 s0, s3;
	s0 =	sld [smem:$0x3FAE]  }
0x30: {  	s3 =	sld [smem:$0x3FB1]  }
0x31: {  	[smem:$0x3FBA] =	sst s10  }
0x32: {  	s10 =	sld [smem:$0x3FB8];
	_ =	sdelay $0x3  }
0x33: {  	p0 =	seq.s32 s10, $0x1;
	s10 =	sld [smem:$0x3FBA];
	_ =	sdelay $0x3  }
0x34: {  	[smem:$0x3FBA] =	sst s10  }
0x35: {  	s10 =	sld [smem:$0x3FB9];
	_ =	sdelay $0x3  }
0x36: {  	p1 =	seq.s32 s10, $0x1;
	s10 =	sld [smem:$0x3FBA];
	_ =	sdelay $0x3  }
0x37: {  	[smem:$0x3FBA] =	sst s10  }
0x38: {  	s10 =	sld [smem:$0x3FBB]  }
0x39: {  	_ = 	snop;
	(pc) =	sbr.ind lr, $3  }
0x3a: {  	_ = 	snop  }
0x3b: {  	_ = 	snop  }
0x3c: {  	p2 =	seq.s32 s10, $0x1;
	s10 =	sld [smem:$0x3FBA]  }
0x3d: {  	_ =	shalt  }
0x3e: {  	_ =	shalt  }
0x3f: {  	_ =	shalt  }
0x40: {  	_ =	shalt  }
0x41: {  	_ =	shalt  }
0x42: {  	_ =	shalt  }
0x43: {  	_ =	shalt  }
0x44: {  	_ =	shalt  }
0x45: {  	_ =	shalt  }
0x46: {  	_ =	shalt  }
0x47: {  	_ =	shalt  }
0x48: {  	_ =	shalt  }
0x49: {  	_ =	shalt  }
0x4a: {  	_ =	shalt  }
0x4b: {  	_ =	shalt  }
0x4c: {  	_ =	shalt  }
0x4d: {  	_ =	shalt  }
0x4e: {  	_ =	shalt  }
0x4f: {  	_ =	shalt  }
0x50: {  	_ =	shalt  }
0x51: {  	_ =	shalt  }
0x52: {  	_ =	shalt  }
0x53: {  	_ =	shalt  }
0x54: {  	_ =	shalt  }
0x55: {  	_ =	shalt  }
0x56: {  	_ =	shalt  }
0x57: {  	_ =	shalt  }
0x58: {  	_ =	shalt  }
0x59: {  	_ =	shalt  }
0x5a: {  	_ =	shalt  }
0x5b: {  	_ =	shalt  }
0x5c: {  	_ =	shalt  }
0x5d: {  	_ =	shalt  }
0x5e: {  	_ =	shalt  }
0x5f: {  	_ =	shalt  }
0x60: {  	_ =	shalt  }
0x61: {  	_ =	shalt  }
0x62: {  	_ =	shalt  }
0x63: {  	_ =	shalt  }
0x64: {  	_ =	shalt  }
0x65: {  	_ =	shalt  }
0x66: {  	_ =	shalt  }
0x67: {  	_ =	shalt  }
0x68: {  	_ =	shalt  }
0x69: {  	_ =	shalt  }
0x6a: {  	_ =	shalt  }
0x6b: {  	_ =	shalt  }
0x6c: {  	_ =	shalt  }
0x6d: {  	_ =	shalt  }
0x6e: {  	_ =	shalt  }
0x6f: {  	_ =	shalt  }
0x70: {  	_ =	shalt  }
0x71: {  	_ =	shalt  }
0x72: {  	_ =	shalt  }
0x73: {  	_ =	shalt  }
0x74: {  	_ =	shalt  }
0x75: {  	_ =	shalt  }
0x76: {  	_ =	shalt  }
0x77: {  	_ =	shalt  }
0x78: {  	_ =	shalt  }
0x79: {  	_ =	shalt  }
0x7a: {  	_ =	shalt  }
0x7b: {  	_ =	shalt  }
0x7c: {  	_ =	shalt  }
0x7d: {  	_ =	shalt  }
0x7e: {  	_ =	shalt  }
0x7f: {  	_ =	shalt  }
0x80: {  	_ =	shalt  }
0x81: {  	_ =	shalt  }
0x82: {  	_ =	shalt  }
0x83: {  	_ =	shalt  }
0x84: {  	_ =	shalt  }
0x85: {  	_ =	shalt  }
0x86: {  	_ =	shalt  }
0x87: {  	_ =	shalt  }
.Lfunc_end0:
.L_simem_size_0:
called_computation.1_lowered:
.L_overlay_start_0:
0x88: {  	s2 =	sld [smem:$0x3FD9]  }
0x89: {  	s3 =	sld [smem:$0x3FFE];
	_ =	sdelay $0x1  }
0x8a: {  	s1 =	srdreg.scid  }
0x8b: {  	s0 =	sand.u32 $0x1, s1  }
0x8c: {  	s17 =	sshll.u32 s0, $0xA;
	s2 =	sadd.s32 s3, s2  }
0x8d: {  	s2 =	sadd.s32 s2, s17  }
0x8e: {  	[smem:$0x3FC6] =	sst s2  }
0x8f: {  	_ = 	snop  }
0x90: {  	(tm) =	ssettm $0x1  }
0x91: {  	s18 =	sld [smem:$0x3FFB];
	_ =	sdelay $0x3  }
0x92: {  	_ =	strace s18  }
0x93: {  	s2 =	sld [smem:$0x3FFC];
	_ =	sdelay $0x3  }
0x94: {  	_ =	strace s2  }
0x95: {  	s2 =	sld [smem:$0x3FFD];
	_ =	sdelay $0x3  }
0x96: {  	_ =	strace s2  }
0x97: {  	_ =	strace $0x8FFFFFFF  }
0x98: {  	s19 =	sld [smem:$0x3FDB];
	_ =	sdelay $0x1  }
0x99: {  	s20 =	simm.s32 $_scs_section_size  }
0x9a: {  	s4 =	simm.s32 $_size__tile_overlayer_lowered;
	s5 =	simm.s32 $_tile_overlayer_lowered  }
0x9b: {  	s6 =	simm.s32 $0x1BFF;
	s21 =	sshll.u32 s5, $0x1;
	s3 =	sadd.s32 s20, s19  }
0x9c: {  	s22 =	simm.s32 $0x0;
	s4 =	sshll.u32 s4, $0x1;
	s5 =	sadd.s32 s21, s3  }
0x9d: {  	[timem:s22], [sflag:s6] =	dma.local [hbm:s5], s4  }
0x9e: {  	_ =	swait.ge [sflag:s6], s4  }
0x9f: {  	s4 =	ssub.s32 $0x0, s4;
	[sflag:s6] =	ssyncset.done $0x0  }
0xa0: {  	[sflag:s6] =	ssyncadd.s32 s4;
	_ =	sdelay $0x1  }
0xa1: {  	s23 =	simm.s32 $0x1B8B  }
0xa2: {  	_ =	swait.ge [sflag:s23], $0x1  }
0xa3: {  	[sflag:s23] =	ssyncset.done $0x0  }
0xa4: {  	[sflag:s23] =	ssyncadd.s32 $0xFFFFFFFF  }
0xa5: {  	s4 =	sld [smem:$0x0]  }
0xa6: {  	s5 =	sand.u32 $0xFFFFFFFE, s1  }
0xa7: {  	p0 =	sne.s32 s1, s5  }
0xa8: {  	s5 =	sshll.u32 @p0 s5, $0xE  }
0xa9: {  	s5 =	sadd.s32 @p0 $0x11B8D, s5;
	s6 =	sshll.u32 @p0 s4, $0x11  }
0xaa: {  	s5 =	sor.u32 @p0 s6, s5  }
0xab: {  	[sflag:s5] =	ssyncadd.remote.s32 @p0 $0x1;
	_ =	sdelay $0x1  }
0xac: {  	s5 =	simm.s32 @p0 $0x1B8D  }
0xad: {  	_ =	swait.eq @p0 [sflag:s5], $0x1  }
0xae: {  	[sflag:s5] =	ssyncadd.s32 @p0 $0xFFFFFFFF  }
0xaf: {  	s6 =	sshll.u32 @!p0 s1, $0xE  }
0xb0: {  	s6 =	sor.u32 @!p0 $0x4000, s6;
	s5 =	simm.s32 @!p0 $0x1B8D  }
0xb1: {  	s4 =	sshll.u32 @!p0 s4, $0x11;
	s6 =	sadd.s32 @!p0 $0x11B8D, s6;
	_ =	swait.eq @!p0 [sflag:s5], $0x1  }
0xb2: {  	s4 =	sor.u32 @!p0 s4, s6;
	[sflag:s5] =	ssyncadd.s32 @!p0 $0xFFFFFFFF  }
0xb3: {  	s25 =	simm.s32 $0x1B8E;
	s24 =	sld [smem:$0x3FFE];
	[sflag:s4] =	ssyncadd.remote.s32 @!p0 $0x1  }
0xb4: {  	s26 =	simm.s32 $execute0_lowered;
	[smem:$0x3FD2] =	sst s25  }
0xb5: {  	s5 =	sshll.u32 s26, $0x1;
	_ =	strace $0x8000004F;
	[dreg:$0x1] =	wrdreg $0xFFFFFFFF  }
0xb6: {  	s28 =	simm.s32 $_size_execute0_lowered;
	s3 =	sadd.s32 s3, s5;
	[dreg:$0x0] =	wrdreg $0x0  }
0xb7: {  	s5 =	sshll.u32 s28, $0x1;
	[dreg:$0x2] =	wrdreg s3  }
0xb8: {  	[dreg:$0x3] =	wrdreg s5  }
0xb9: {  	[dreg:$0x4] =	wrdreg $0xC0  }
0xba: {  	_ =	task [dreg:s22], $0x5FFFF  }
0xbb: {  	[dreg:$0x1] =	wrdreg $0xFFFFFFFF  }
0xbc: {  	[dreg:$0x0] =	wrdreg $0x60  }
0xbd: {  	[dreg:$0x2] =	wrdreg s24  }
0xbe: {  	[dreg:$0x3] =	wrdreg $0xA  }
0xbf: {  	_ =	task.clear_ibuf [dreg:s22], $0x4FFFF;
	_ =	strace $0x9000004F  }
0xc0: {  	s29 =	simm.s32 $0xA;
	_ =	strace $0x80000051  }
0xc1: {  	_ =	swait.ge [sflag:s29], $0x1  }
0xc2: {  	[sflag:s29] =	ssyncadd.s32 $0xFFFFFFFF  }
0xc3: {  	_ =	strace $0x90000051  }
0xc4: {  	_ =	sfence  }
0xc5: {  	s30 =	sld [smem:$0x0];
	_ =	sdelay $0x2  }
0xc6: {  	s31 =	sshll.u32 s1, $0xD;
	s1 =	sshrl.u32 s1, $0x2  }
0xc7: {  	s4 =	sand.u32 $0x4000, s31;
	s1 =	sadd.s32 s1, s30  }
0xc8: {  	s0 =	sor.u32 s4, s0;
	s1 =	sshll.u32 s1, $0x11  }
0xc9: {  	s0 =	sor.u32 s1, s0  }
0xca: {  	s0 =	sadd.s32 $0x8F2B, s0  }
0xcb: {  	[sflag:s0] =	ssyncadd.remote.s32 $0x1  }
0xcc: {  	_ =	sfence.sel $0xFFFF  }
0xcd: {  	[dreg:$0x0] =	wrdreg $0xFFFFFFFF;
	(pc) =	sbr.abs _section_cstart, $3  }
0xce: {  	[dreg:$0x1] =	wrdreg $0xFFFFFFFF  }
0xcf: {  	_ =	task.clear_ibuf [dreg:s22], $0x2FFFF;
	_ =	strace $0x9FFFFFFF  }
0xd0: {  	(tm) =	ssettm $0x7FFFFFFF  }
0xd1: {  	_ =	shalt  }
tec
execute0_lowered:
.L_overlay_start_1:
0x0: {  	(tag) =	ssettag $0x1  }
0x1: {  	s1 =	srdreg.scid  }
0x2: {  	s0 =	stileid.u32;
	s4 =	rddreg [dreg:$0x0]  }
0x3: {  	s2 =	simm.s32 $0x0;
	s15 =	simm.s32 $0x2F00;
	s16 =	simm.s32 $0x100  }
0x4: {  	s17 =	simm.s32 $0x4F00;
	s18 =	simm.s32 $0x1;
	s19 =	simm.s32 $0x2  }
0x5: {  	s20 =	simm.s32 $0x3;
	s21 =	simm.s32 $0x0;
	s9 =	smul.u32 $0x3C, s0  }
0x6: {  	s8 =	sand.u32 $0x1, s1;
	s1 =	rddreg [dreg:$0x1];
	s31 =	smul.u32 $0xF000, s0  }
0x7: {  	s3 =	sshll.u32 s0, $0x1;
	[smem:$0x7FF] =	sst s2;
	s11 =	smul.u32 $0x1E, s8  }
0x8: {  	s12 =	sadd.s32 $0x2FAC00, s4;
	s3 =	sor.u32 s8, s3;
	s14 =	smul.u32 $0x7800, s8  }
0x9: {  	_ =	strace $0x80000050;
	s7 =	ssub.s32 $0x2, s8;
	s5 =	smul.u32 $0x1E0, s3  }
0xa: {  	s6 =	smul.u32 $0x7800, s3;
	s3 =	sadd.s32 $0x2EF000, s4;
	s10 =	sshrl.u32 s7, $0x1  }
0xb: {  	s7 =	ssub.s32 s7, s10;
	s30 =	sadd.s32 s11, s9;
	s11 =	sadd.s32 s31, s12  }
0xc: {  	s5 =	sadd.s32 s5, s4;
	s29 =	sadd.s32 s12, s6;
	s9 =	sshll.u32 s30, $0xA  }
0xd: {  	s11 =	sadd.s32 s14, s11;
	s14 =	simm.s32 $0xF00;
	s4 =	sadd.s32 $0x2F7000, s5  }
0xe: {  	s5 =	smax.u32 s7, $0x1;
	s6 =	sadd.s32 $0x6C00, s29;
	s7 =	sadd.s32 $0x7000, s29  }
0xf: {  	s13 =	sadd.s32 s9, s12;
	s8 =	sadd.s32 $0x7400, s29;
	s12 =	simm.s32 $0x4  }
0x10: {  	s9 =	sadd.s32 $0x800, s13;
	s10 =	sadd.s32 $0x400, s13;
	s13 =	simm.s32 $0x80  }
.LBB2_1:
0x11: {  	[tilespmem:s2], [sflag:$0x4] =	stream.linear.gather [hbm4b:s4+s2], $0xF00, $0x38;
	[tilespmem:$0x6F00] =	vst v63  }
0x12: {  	_ =	swait.ge [sflag:s12], $0xF00  }
0x13: {  	[sflag:s12] =	ssyncset.done $0x0  }
0x14: {  	[sflag:s12] =	ssyncadd.s32 $0xFFFFF100  }
0x15: {  	[tilespmem:s14], [sflag:$0x1] =	stream.indirect.gather [hbm4b:s3+s13], $0x40, s2, s13, $0xb8;
	[tilespmem:$0x6F00] =	vst v63  }
0x16: {  	_ = 	snop  }
0x17: {  	[tilespmem:s15], [sflag:$0x2] =	stream.indirect.gather [hbm4b:s3+s13], $0x40, s13, s13, $0xb8;
	[tilespmem:$0x6F00] =	vst v63  }
0x18: {  	_ = 	snop  }
0x19: {  	[tilespmem:s17], [sflag:$0x3] =	stream.indirect.gather [hbm4b:s3+s13], $0x40, s16, s13, $0xb8;
	[tilespmem:$0x6F00] =	vst v63  }
0x1a: {  	_ =	swait.ge [sflag:s18], $0x2000  }
0x1b: {  	[sflag:s18] =	ssyncset.done $0x0  }
0x1c: {  	s22 =	sadd.s32 $0x0, s11;
	[sflag:s18] =	ssyncadd.s32 $0xFFFFE000  }
0x1d: {  	[hbm4b:s22+s2] =	stream.linear.scatter [tilespmem:s14], [sflag:$0x4], $0x2000, $0x38;
	[tilespmem:$0x6F00] =	vst v63  }
0x1e: {  	_ =	swait.ge [sflag:s12], $0x2000  }
0x1f: {  	[sflag:s12] =	ssyncset.done $0x0  }
0x20: {  	s28 =	simm.s32 $0x180;
	[sflag:s12] =	ssyncadd.s32 $0xFFFFE000  }
0x21: {  	[tilespmem:s14], [sflag:$0x1] =	stream.indirect.gather [hbm4b:s3+s13], $0x40, s28, s13, $0xb8;
	[tilespmem:$0x6F00] =	vst v63  }
0x22: {  	_ =	swait.ge [sflag:s19], $0x2000  }
0x23: {  	[sflag:s19] =	ssyncset.done $0x0  }
0x24: {  	s29 =	sadd.s32 $0x0, s10;
	[sflag:s19] =	ssyncadd.s32 $0xFFFFE000  }
0x25: {  	[hbm4b:s29+s2] =	stream.linear.scatter [tilespmem:s15], [sflag:$0x4], $0x2000, $0x38;
	[tilespmem:$0x6F00] =	vst v63  }
0x26: {  	_ =	swait.ge [sflag:s12], $0x2000  }
0x27: {  	[sflag:s12] =	ssyncset.done $0x0  }
0x28: {  	s30 =	simm.s32 $0x200;
	[sflag:s12] =	ssyncadd.s32 $0xFFFFE000  }
0x29: {  	[tilespmem:s15], [sflag:$0x2] =	stream.indirect.gather [hbm4b:s3+s13], $0x40, s30, s13, $0xb8;
	[tilespmem:$0x6F00] =	vst v63  }
0x2a: {  	_ =	swait.ge [sflag:s20], $0x2000  }
0x2b: {  	[sflag:s20] =	ssyncset.done $0x0  }
0x2c: {  	s31 =	sadd.s32 $0x0, s9;
	[sflag:s20] =	ssyncadd.s32 $0xFFFFE000  }
0x2d: {  	[hbm4b:s31+s2] =	stream.linear.scatter [tilespmem:s17], [sflag:$0x4], $0x2000, $0x38;
	[tilespmem:$0x6F00] =	vst v63  }
0x2e: {  	_ =	swait.ge [sflag:s12], $0x2000  }
0x2f: {  	s23 =	simm.s32 $0xC00;
	[sflag:s12] =	ssyncset.done $0x0  }
0x30: {  	s24 =	simm.s32 $0x400;
	s22 =	simm.s32 $0x280;
	[sflag:s12] =	ssyncadd.s32 $0xFFFFE000  }
.LBB2_2:
0x31: {  	[tilespmem:s17], [sflag:$0x3] =	stream.indirect.gather [hbm4b:s3+s13], $0x40, s22, s13, $0xb8;
	[tilespmem:$0x6F00] =	vst v63  }
0x32: {  	s25 =	smov.u32 s23;
	s22 =	smov.u32 s24  }
0x33: {  	p0 =	sne.s32 s23, $0x6000;
	s23 =	sadd.s32 $0xC00, s23;
	_ =	swait.ge [sflag:s18], $0x2000  }
0x34: {  	[sflag:s18] =	ssyncset.done $0x0  }
0x35: {  	s26 =	sadd.s32 s25, s11;
	[sflag:s18] =	ssyncadd.s32 $0xFFFFE000  }
0x36: {  	[hbm4b:s26+s2] =	stream.linear.scatter [tilespmem:s14], [sflag:$0x4], $0x2000, $0x38;
	[tilespmem:$0x6F00] =	vst v63  }
0x37: {  	_ =	swait.ge [sflag:s12], $0x2000  }
0x38: {  	[sflag:s12] =	ssyncset.done $0x0  }
0x39: {  	s26 =	sadd.s32 $0xFFFFFF00, s24;
	[sflag:s12] =	ssyncadd.s32 $0xFFFFE000  }
0x3a: {  	[tilespmem:s14], [sflag:$0x1] =	stream.indirect.gather [hbm4b:s3+s13], $0x40, s26, s13, $0xb8;
	[tilespmem:$0x6F00] =	vst v63  }
0x3b: {  	_ =	swait.ge [sflag:s19], $0x2000  }
0x3c: {  	[sflag:s19] =	ssyncset.done $0x0  }
0x3d: {  	s26 =	sadd.s32 s25, s10;
	[sflag:s19] =	ssyncadd.s32 $0xFFFFE000  }
0x3e: {  	[hbm4b:s26+s2] =	stream.linear.scatter [tilespmem:s15], [sflag:$0x4], $0x2000, $0x38;
	[tilespmem:$0x6F00] =	vst v63  }
0x3f: {  	_ =	swait.ge [sflag:s12], $0x2000  }
0x40: {  	[sflag:s12] =	ssyncset.done $0x0  }
0x41: {  	s26 =	sadd.s32 $0xFFFFFF80, s24;
	[sflag:s12] =	ssyncadd.s32 $0xFFFFE000  }
0x42: {  	[tilespmem:s15], [sflag:$0x2] =	stream.indirect.gather [hbm4b:s3+s13], $0x40, s26, s13, $0xb8;
	[tilespmem:$0x6F00] =	vst v63  }
0x43: {  	_ =	swait.ge [sflag:s20], $0x2000  }
0x44: {  	[sflag:s20] =	ssyncset.done $0x0  }
.Ltmp0:
0x45: {  	s25 =	sadd.s32 s25, s9;
	[sflag:s20] =	ssyncadd.s32 $0xFFFFE000;
	(pc) =	sbr.rel @p0 .LBB2_2-.Ltmp0, $4  }
0x46: {  	[hbm4b:s25+s2] =	stream.linear.scatter [tilespmem:s17], [sflag:$0x4], $0x2000, $0x38;
	[tilespmem:$0x6F00] =	vst v63  }
0x47: {  	_ =	swait.ge [sflag:s12], $0x2000  }
0x48: {  	[sflag:s12] =	ssyncset.done $0x0  }
0x49: {  	s24 =	sadd.s32 $0x180, s24;
	[sflag:s12] =	ssyncadd.s32 $0xFFFFE000  }
0x4a: {  	[tilespmem:s17], [sflag:$0x3] =	stream.indirect.gather [hbm4b:s3+s13], $0x40, s22, s13, $0xb8;
	[tilespmem:$0x6F00] =	vst v63  }
0x4b: {  	_ =	swait.ge [sflag:s18], $0x2000  }
0x4c: {  	[sflag:s18] =	ssyncset.done $0x0  }
0x4d: {  	[sflag:s18] =	ssyncadd.s32 $0xFFFFE000  }
0x4e: {  	[hbm4b:s6+s2] =	stream.linear.scatter [tilespmem:s14], [sflag:$0x4], $0x2000, $0x38;
	[tilespmem:$0x6F00] =	vst v63  }
0x4f: {  	_ =	swait.ge [sflag:s12], $0x2000  }
0x50: {  	[sflag:s12] =	ssyncset.done $0x0  }
0x51: {  	[sflag:s12] =	ssyncadd.s32 $0xFFFFE000  }
0x52: {  	_ =	swait.ge [sflag:s19], $0x2000  }
0x53: {  	[sflag:s19] =	ssyncset.done $0x0  }
0x54: {  	[sflag:s19] =	ssyncadd.s32 $0xFFFFE000  }
0x55: {  	[hbm4b:s7+s2] =	stream.linear.scatter [tilespmem:s15], [sflag:$0x4], $0x2000, $0x38;
	[tilespmem:$0x6F00] =	vst v63  }
0x56: {  	_ =	swait.ge [sflag:s12], $0x2000  }
0x57: {  	[sflag:s12] =	ssyncset.done $0x0  }
0x58: {  	[sflag:s12] =	ssyncadd.s32 $0xFFFFE000  }
0x59: {  	s21 =	sadd.s32 $0x1, s21;
	_ =	swait.ge [sflag:s20], $0x2000  }
0x5a: {  	p0 =	sne.s32 s21, s5;
	[sflag:s20] =	ssyncset.done $0x0  }
.Ltmp1:
0x5b: {  	[sflag:s20] =	ssyncadd.s32 $0xFFFFE000;
	(pc) =	sbr.rel @p0 .LBB2_1-.Ltmp1, $4  }
0x5c: {  	[hbm4b:s8+s2] =	stream.linear.scatter [tilespmem:s17], [sflag:$0x4], $0x2000, $0x38;
	[tilespmem:$0x6F00] =	vst v63  }
0x5d: {  	_ =	swait.ge [sflag:s12], $0x2000  }
0x5e: {  	[sflag:s12] =	ssyncset.done $0x0  }
0x5f: {  	[sflag:s12] =	ssyncadd.s32 $0xFFFFE000  }
0x60: {  	_ =	sfence.sel $0x180000  }
0x61: {  	[bflag:$0x0] =	sbarrier.arrive $0xFFFF  }
0x62: {  	p0 =	sne.s32 s0, $0x0;
	_ =	strace $0x90000050  }
0x63: {  	s0 =	sadd.s32 @!p0 $0x100000, s1;
	[bflag:$0x2] =	sbarrier.arrive $0xFFFF  }
0x64: {  	[sflag:s0] =	ssyncadd.tile.s32 @!p0 $0x1;
	_ =	shalt  }
.Lfunc_end2:
_tile_overlayer_lowered:
.L_overlay_start_2:
0x65: {  	(tag) =	ssettag $0x2  }
0x66: {  	s0 =	rddreg [dreg:$0x0];
	s2 =	stileid.u32  }
0x67: {  	s1 =	rddreg [dreg:$0x1];
	p0 =	sne.s32 s2, $0x0  }
0x68: {  	s3 =	rddreg [dreg:$0x2];
	[bflag:$0x3] =	sbarrier.arrive $0xFFFF;
	s2 =	simm.s32 @!p0 $0x1C04  }
0x69: {  	[timem:s3], [sflag:s2] =	dma.local @!p0 [hbm:s0], s1  }
0x6a: {  	s0 =	simm.s32 @!p0 $0x4  }
0x6b: {  	_ =	swait.ge @!p0 [sflag:s0], s1  }
0x6c: {  	s1 =	ssub.s32 @!p0 $0x0, s1;
	[sflag:s0] =	ssyncset.done @!p0 $0x0  }
0x6d: {  	[sflag:s0] =	ssyncadd.s32 @!p0 s1  }
0x6e: {  	[bflag:$0x3] =	sbarrier.arrive $0xFFFF  }
0x6f: {  	_ =	shalt  }

// kernel: kernel.16.cloned.1.call-start
scs
__scs_entry_jumppad:
0x0: {  	(pc) =	sbr.rel $0x88, $3  }
0x1: {  	(tag) =	ssettag $0x0;
	lr =	simm.s32 $0x1  }
0x2: {  	[smem:$0x3F9F] =	sst lr;
	_ =	strace $0xD0000000  }
0x3: {  	_ = 	snop  }
0x4: {  	_ = 	snop  }
0x5: {  	_ = 	snop  }
0x6: {  	_ = 	snop  }
0x7: {  	_ = 	snop  }
__scs_overlays_trampoline_lowered:
0x8: {  	[smem:$0x3FAE] =	sst s0  }
0x9: {  	[smem:$0x3FAF] =	sst s1  }
0xa: {  	[smem:$0x3FB0] =	sst s2  }
0xb: {  	[smem:$0x3FB1] =	sst s3  }
0xc: {  	[smem:$0x3FB2] =	sst s4  }
0xd: {  	[smem:$0x3FB3] =	sst s5  }
0xe: {  	[smem:$0x3FB4] =	sst s6  }
0xf: {  	[smem:$0x3FB5] =	sst s7  }
0x10: {  	[smem:$0x3FB6] =	sst s8  }
0x11: {  	[smem:$0x3FB7] =	sst s9;
	s0 =	simm.s32 @!p0 $0x0  }
0x12: {  	s1 =	sld [smem:$0x3F9D];
	s0 =	simm.s32 @p0 $0x1  }
0x13: {  	[smem:$0x3FB8] =	sst s0;
	s0 =	simm.s32 @!p1 $0x0  }
0x14: {  	s2 =	sld [smem:$0x3F9C];
	s0 =	simm.s32 @p1 $0x1  }
0x15: {  	[smem:$0x3FB9] =	sst s0;
	s0 =	simm.s32 @!p2 $0x0  }
0x16: {  	s3 =	sld [smem:$0x3FDB];
	s0 =	simm.s32 @p2 $0x1  }
0x17: {  	s4 =	simm.s32 $0x1BF5;
	[smem:$0x3FBB] =	sst s0  }
0x18: {  	s0 =	sld [smem:$0x3F9E];
	_ =	swait.ge [sflag:s4], $0x0  }
0x19: {  	s7 =	sld [smem:$0x3F9F]  }
0x1a: {  	s8 =	sadd.s32 $0xFFFFE003, lr  }
0x1b: {  	s9 =	sadd.s32 $0xFFFFFEF7, lr;
	s5 =	simm.s32 $0xFFFFFFFF;
	p2 =	slt.u32 s8, $0xFFFFF086  }
0x1c: {  	p1 =	slt.u32 s9, $0xF7A;
	s5 =	simm.s32 @!p2 $0x0  }
0x1d: {  	s5 =	simm.s32 @p1 $0x1;
	p0 =	seq.s32 s7, s2  }
0x1e: {  	s7 =	smul.u32 @!p0 $0xF7A, s2;
	p2 =	seq.s32 @!p0 s5, $0x0  }
0x1f: {  	s9 =	smul.u32 $0xF7A, s1;
	s8 =	simm.s32 @!p0 $0x1BF5;
	p2 =	por !p2, p0  }
0x20: {  	[sflag:s8] =	ssyncset.s32 @!p0 $0xFFFFF086;
	s6 =	sadd.s32 @!p0 s3, s7;
	s7 =	simm.s32 @!p0 $0x108  }
0x21: {  	s3 =	sadd.s32 s3, s9;
	s6 =	sadd.s32 @!p0 $0x88, s6;
	s7 =	simm.s32 @p2 $0x1082  }
0x22: {  	[simem:s7], [sflag:s8] =	dma.local @!p0 [hbm:s6], $0xF7A  }
0x23: {  	s9 =	sor.u32 $0xD0000000, s2;
	s6 =	simm.s32 $0x108;
	_ =	swait.ge @!p0 [sflag:s8], $0x0  }
0x24: {  	s3 =	sadd.s32 $0x88, s3;
	s6 =	simm.s32 @!p1 $0x1082;
	[sflag:s4] =	ssyncset.s32 $0xFFFFF086  }
0x25: {  	[simem:s6], [sflag:s4] =	dma.local [hbm:s3], $0xF7A  }
0x26: {  	[smem:$0x3F9F] =	sst s1;
	(tag) =	ssettag s2;
	_ =	strace s9  }
0x27: {  	s1 =	sld [smem:$0x3FAF]  }
0x28: {  	s2 =	sld [smem:$0x3FB0]  }
0x29: {  	s4 =	sld [smem:$0x3FB2]  }
0x2a: {  	p0 =	seq.s32 s5, $0x0;
	s5 =	sld [smem:$0x3FB3]  }
0x2b: {  	s6 =	sld [smem:$0x3FB4]  }
0x2c: {  	s7 =	sld [smem:$0x3FB5]  }
0x2d: {  	s3 =	simm.s32 $0x108;
	s8 =	sld [smem:$0x3FB6]  }
0x2e: {  	s3 =	simm.s32 @!p0 $0x1082;
	s9 =	sld [smem:$0x3FB7]  }
0x2f: {  	lr =	sadd.s32 s0, s3;
	s0 =	sld [smem:$0x3FAE]  }
0x30: {  	s3 =	sld [smem:$0x3FB1]  }
0x31: {  	[smem:$0x3FBA] =	sst s10  }
0x32: {  	s10 =	sld [smem:$0x3FB8];
	_ =	sdelay $0x3  }
0x33: {  	p0 =	seq.s32 s10, $0x1;
	s10 =	sld [smem:$0x3FBA];
	_ =	sdelay $0x3  }
0x34: {  	[smem:$0x3FBA] =	sst s10  }
0x35: {  	s10 =	sld [smem:$0x3FB9];
	_ =	sdelay $0x3  }
0x36: {  	p1 =	seq.s32 s10, $0x1;
	s10 =	sld [smem:$0x3FBA];
	_ =	sdelay $0x3  }
0x37: {  	[smem:$0x3FBA] =	sst s10  }
0x38: {  	s10 =	sld [smem:$0x3FBB]  }
0x39: {  	_ = 	snop;
	(pc) =	sbr.ind lr, $3  }
0x3a: {  	_ = 	snop  }
0x3b: {  	_ = 	snop  }
0x3c: {  	p2 =	seq.s32 s10, $0x1;
	s10 =	sld [smem:$0x3FBA]  }
0x3d: {  	_ =	shalt  }
0x3e: {  	_ =	shalt  }
0x3f: {  	_ =	shalt  }
0x40: {  	_ =	shalt  }
0x41: {  	_ =	shalt  }
0x42: {  	_ =	shalt  }
0x43: {  	_ =	shalt  }
0x44: {  	_ =	shalt  }
0x45: {  	_ =	shalt  }
0x46: {  	_ =	shalt  }
0x47: {  	_ =	shalt  }
0x48: {  	_ =	shalt  }
0x49: {  	_ =	shalt  }
0x4a: {  	_ =	shalt  }
0x4b: {  	_ =	shalt  }
0x4c: {  	_ =	shalt  }
0x4d: {  	_ =	shalt  }
0x4e: {  	_ =	shalt  }
0x4f: {  	_ =	shalt  }
0x50: {  	_ =	shalt  }
0x51: {  	_ =	shalt  }
0x52: {  	_ =	shalt  }
0x53: {  	_ =	shalt  }
0x54: {  	_ =	shalt  }
0x55: {  	_ =	shalt  }
0x56: {  	_ =	shalt  }
0x57: {  	_ =	shalt  }
0x58: {  	_ =	shalt  }
0x59: {  	_ =	shalt  }
0x5a: {  	_ =	shalt  }
0x5b: {  	_ =	shalt  }
0x5c: {  	_ =	shalt  }
0x5d: {  	_ =	shalt  }
0x5e: {  	_ =	shalt  }
0x5f: {  	_ =	shalt  }
0x60: {  	_ =	shalt  }
0x61: {  	_ =	shalt  }
0x62: {  	_ =	shalt  }
0x63: {  	_ =	shalt  }
0x64: {  	_ =	shalt  }
0x65: {  	_ =	shalt  }
0x66: {  	_ =	shalt  }
0x67: {  	_ =	shalt  }
0x68: {  	_ =	shalt  }
0x69: {  	_ =	shalt  }
0x6a: {  	_ =	shalt  }
0x6b: {  	_ =	shalt  }
0x6c: {  	_ =	shalt  }
0x6d: {  	_ =	shalt  }
0x6e: {  	_ =	shalt  }
0x6f: {  	_ =	shalt  }
0x70: {  	_ =	shalt  }
0x71: {  	_ =	shalt  }
0x72: {  	_ =	shalt  }
0x73: {  	_ =	shalt  }
0x74: {  	_ =	shalt  }
0x75: {  	_ =	shalt  }
0x76: {  	_ =	shalt  }
0x77: {  	_ =	shalt  }
0x78: {  	_ =	shalt  }
0x79: {  	_ =	shalt  }
0x7a: {  	_ =	shalt  }
0x7b: {  	_ =	shalt  }
0x7c: {  	_ =	shalt  }
0x7d: {  	_ =	shalt  }
0x7e: {  	_ =	shalt  }
0x7f: {  	_ =	shalt  }
0x80: {  	_ =	shalt  }
0x81: {  	_ =	shalt  }
0x82: {  	_ =	shalt  }
0x83: {  	_ =	shalt  }
0x84: {  	_ =	shalt  }
0x85: {  	_ =	shalt  }
0x86: {  	_ =	shalt  }
0x87: {  	_ =	shalt  }
.Lfunc_end0:
.L_simem_size_0:
called_computation.2_lowered:
.L_overlay_start_0:
0x88: {  	s2 =	sld [smem:$0x3FD9]  }
0x89: {  	s3 =	sld [smem:$0x3FFE];
	_ =	sdelay $0x1  }
0x8a: {  	s1 =	srdreg.scid  }
0x8b: {  	s0 =	sand.u32 $0x1, s1  }
0x8c: {  	s17 =	sshll.u32 s0, $0xA;
	s2 =	sadd.s32 s3, s2  }
0x8d: {  	s2 =	sadd.s32 s2, s17  }
0x8e: {  	[smem:$0x3FC6] =	sst s2  }
0x8f: {  	_ = 	snop  }
0x90: {  	(tm) =	ssettm $0x1  }
0x91: {  	s18 =	sld [smem:$0x3FFB];
	_ =	sdelay $0x3  }
0x92: {  	_ =	strace s18  }
0x93: {  	s2 =	sld [smem:$0x3FFC];
	_ =	sdelay $0x3  }
0x94: {  	_ =	strace s2  }
0x95: {  	s2 =	sld [smem:$0x3FFD];
	_ =	sdelay $0x3  }
0x96: {  	_ =	strace s2  }
0x97: {  	_ =	strace $0x8FFFFFFF  }
0x98: {  	s19 =	sld [smem:$0x3FDB];
	_ =	sdelay $0x1  }
0x99: {  	s20 =	simm.s32 $_scs_section_size  }
0x9a: {  	s4 =	simm.s32 $_size__tile_overlayer_lowered;
	s5 =	simm.s32 $_tile_overlayer_lowered  }
0x9b: {  	s6 =	simm.s32 $0x1BFF;
	s21 =	sshll.u32 s5, $0x1;
	s3 =	sadd.s32 s20, s19  }
0x9c: {  	s22 =	simm.s32 $0x0;
	s4 =	sshll.u32 s4, $0x1;
	s5 =	sadd.s32 s21, s3  }
0x9d: {  	[timem:s22], [sflag:s6] =	dma.local [hbm:s5], s4  }
0x9e: {  	_ =	swait.ge [sflag:s6], s4  }
0x9f: {  	s4 =	ssub.s32 $0x0, s4;
	[sflag:s6] =	ssyncset.done $0x0  }
0xa0: {  	[sflag:s6] =	ssyncadd.s32 s4;
	_ =	sdelay $0x1  }
0xa1: {  	s23 =	simm.s32 $0x1B8B  }
0xa2: {  	_ =	swait.ge [sflag:s23], $0x1  }
0xa3: {  	[sflag:s23] =	ssyncset.done $0x0  }
0xa4: {  	[sflag:s23] =	ssyncadd.s32 $0xFFFFFFFF  }
0xa5: {  	s4 =	sld [smem:$0x0]  }
0xa6: {  	s5 =	sand.u32 $0xFFFFFFFE, s1  }
0xa7: {  	p0 =	sne.s32 s1, s5  }
0xa8: {  	s5 =	sshll.u32 @p0 s5, $0xE  }
0xa9: {  	s5 =	sadd.s32 @p0 $0x11B8D, s5;
	s6 =	sshll.u32 @p0 s4, $0x11  }
0xaa: {  	s5 =	sor.u32 @p0 s6, s5  }
0xab: {  	[sflag:s5] =	ssyncadd.remote.s32 @p0 $0x1;
	_ =	sdelay $0x1  }
0xac: {  	s5 =	simm.s32 @p0 $0x1B8D  }
0xad: {  	_ =	swait.eq @p0 [sflag:s5], $0x1  }
0xae: {  	[sflag:s5] =	ssyncadd.s32 @p0 $0xFFFFFFFF  }
0xaf: {  	s6 =	sshll.u32 @!p0 s1, $0xE  }
0xb0: {  	s6 =	sor.u32 @!p0 $0x4000, s6;
	s5 =	simm.s32 @!p0 $0x1B8D  }
0xb1: {  	s4 =	sshll.u32 @!p0 s4, $0x11;
	s6 =	sadd.s32 @!p0 $0x11B8D, s6;
	_ =	swait.eq @!p0 [sflag:s5], $0x1  }
0xb2: {  	s4 =	sor.u32 @!p0 s4, s6;
	[sflag:s5] =	ssyncadd.s32 @!p0 $0xFFFFFFFF  }
0xb3: {  	s25 =	simm.s32 $0x1B8E;
	s24 =	sld [smem:$0x3FFE];
	[sflag:s4] =	ssyncadd.remote.s32 @!p0 $0x1  }
0xb4: {  	s26 =	simm.s32 $execute0_lowered;
	[smem:$0x3FD2] =	sst s25  }
0xb5: {  	s5 =	sshll.u32 s26, $0x1;
	_ =	strace $0x8000004C;
	[dreg:$0x1] =	wrdreg $0xFFFFFFFF  }
0xb6: {  	s28 =	simm.s32 $_size_execute0_lowered;
	s3 =	sadd.s32 s3, s5;
	[dreg:$0x0] =	wrdreg $0x0  }
0xb7: {  	s5 =	sshll.u32 s28, $0x1;
	[dreg:$0x2] =	wrdreg s3  }
0xb8: {  	[dreg:$0x3] =	wrdreg s5  }
0xb9: {  	[dreg:$0x4] =	wrdreg $0xC0  }
0xba: {  	_ =	task [dreg:s22], $0x5FFFF  }
0xbb: {  	[dreg:$0x1] =	wrdreg $0xFFFFFFFF  }
0xbc: {  	[dreg:$0x0] =	wrdreg $0x60  }
0xbd: {  	[dreg:$0x2] =	wrdreg s24  }
0xbe: {  	[dreg:$0x3] =	wrdreg $0xB  }
0xbf: {  	_ =	task.clear_ibuf [dreg:s22], $0x4FFFF;
	_ =	strace $0x9000004C  }
0xc0: {  	s29 =	simm.s32 $0xB;
	_ =	strace $0x8000004E  }
0xc1: {  	_ =	swait.ge [sflag:s29], $0x1  }
0xc2: {  	[sflag:s29] =	ssyncadd.s32 $0xFFFFFFFF  }
0xc3: {  	_ =	strace $0x9000004E  }
0xc4: {  	_ =	sfence  }
0xc5: {  	s30 =	sld [smem:$0x0];
	_ =	sdelay $0x2  }
0xc6: {  	s31 =	sshll.u32 s1, $0xD;
	s1 =	sshrl.u32 s1, $0x2  }
0xc7: {  	s4 =	sand.u32 $0x4000, s31;
	s1 =	sadd.s32 s1, s30  }
0xc8: {  	s0 =	sor.u32 s4, s0;
	s1 =	sshll.u32 s1, $0x11  }
0xc9: {  	s0 =	sor.u32 s1, s0  }
0xca: {  	s0 =	sadd.s32 $0x8F2B, s0  }
0xcb: {  	[sflag:s0] =	ssyncadd.remote.s32 $0x1  }
0xcc: {  	_ =	sfence.sel $0xFFFF  }
0xcd: {  	[dreg:$0x0] =	wrdreg $0xFFFFFFFF;
	(pc) =	sbr.abs _section_cstart, $3  }
0xce: {  	[dreg:$0x1] =	wrdreg $0xFFFFFFFF  }
0xcf: {  	_ =	task.clear_ibuf [dreg:s22], $0x2FFFF;
	_ =	strace $0x9FFFFFFF  }
0xd0: {  	(tm) =	ssettm $0x7FFFFFFF  }
0xd1: {  	_ =	shalt  }
tec
execute0_lowered:
.L_overlay_start_1:
0x0: {  	(tag) =	ssettag $0x1  }
0x1: {  	s1 =	srdreg.scid  }
0x2: {  	s0 =	stileid.u32;
	s4 =	rddreg [dreg:$0x0]  }
0x3: {  	s2 =	simm.s32 $0x0;
	s15 =	simm.s32 $0x2F00;
	s16 =	simm.s32 $0x100  }
0x4: {  	s17 =	simm.s32 $0x4F00;
	s18 =	simm.s32 $0x1;
	s19 =	simm.s32 $0x2  }
0x5: {  	s20 =	simm.s32 $0x3;
	s21 =	simm.s32 $0x0;
	s9 =	smul.u32 $0x3C, s0  }
0x6: {  	s8 =	sand.u32 $0x1, s1;
	s1 =	rddreg [dreg:$0x1];
	s31 =	smul.u32 $0xF000, s0  }
0x7: {  	s3 =	sshll.u32 s0, $0x1;
	[smem:$0x7FF] =	sst s2;
	s11 =	smul.u32 $0x1E, s8  }
0x8: {  	s12 =	sadd.s32 $0x1FF000, s4;
	s3 =	sor.u32 s8, s3;
	s14 =	smul.u32 $0x7800, s8  }
0x9: {  	_ =	strace $0x8000004D;
	s7 =	ssub.s32 $0x2, s8;
	s5 =	smul.u32 $0x1E0, s3  }
0xa: {  	s6 =	smul.u32 $0x7800, s3;
	s3 =	sadd.s32 $0x1F3400, s4;
	s10 =	sshrl.u32 s7, $0x1  }
0xb: {  	s7 =	ssub.s32 s7, s10;
	s30 =	sadd.s32 s11, s9;
	s11 =	sadd.s32 s31, s12  }
0xc: {  	s5 =	sadd.s32 s5, s4;
	s29 =	sadd.s32 s12, s6;
	s9 =	sshll.u32 s30, $0xA  }
0xd: {  	s11 =	sadd.s32 s14, s11;
	s14 =	simm.s32 $0xF00;
	s4 =	sadd.s32 $0x1FB400, s5  }
0xe: {  	s5 =	smax.u32 s7, $0x1;
	s6 =	sadd.s32 $0x6C00, s29;
	s7 =	sadd.s32 $0x7000, s29  }
0xf: {  	s13 =	sadd.s32 s9, s12;
	s8 =	sadd.s32 $0x7400, s29;
	s12 =	simm.s32 $0x4  }
0x10: {  	s9 =	sadd.s32 $0x800, s13;
	s10 =	sadd.s32 $0x400, s13;
	s13 =	simm.s32 $0x80  }
.LBB2_1:
0x11: {  	[tilespmem:s2], [sflag:$0x4] =	stream.linear.gather [hbm4b:s4+s2], $0xF00, $0x38;
	[tilespmem:$0x6F00] =	vst v63  }
0x12: {  	_ =	swait.ge [sflag:s12], $0xF00  }
0x13: {  	[sflag:s12] =	ssyncset.done $0x0  }
0x14: {  	[sflag:s12] =	ssyncadd.s32 $0xFFFFF100  }
0x15: {  	[tilespmem:s14], [sflag:$0x1] =	stream.indirect.gather [hbm4b:s3+s13], $0x40, s2, s13, $0xb8;
	[tilespmem:$0x6F00] =	vst v63  }
0x16: {  	_ = 	snop  }
0x17: {  	[tilespmem:s15], [sflag:$0x2] =	stream.indirect.gather [hbm4b:s3+s13], $0x40, s13, s13, $0xb8;
	[tilespmem:$0x6F00] =	vst v63  }
0x18: {  	_ = 	snop  }
0x19: {  	[tilespmem:s17], [sflag:$0x3] =	stream.indirect.gather [hbm4b:s3+s13], $0x40, s16, s13, $0xb8;
	[tilespmem:$0x6F00] =	vst v63  }
0x1a: {  	_ =	swait.ge [sflag:s18], $0x2000  }
0x1b: {  	[sflag:s18] =	ssyncset.done $0x0  }
0x1c: {  	s22 =	sadd.s32 $0x0, s11;
	[sflag:s18] =	ssyncadd.s32 $0xFFFFE000  }
0x1d: {  	[hbm4b:s22+s2] =	stream.linear.scatter [tilespmem:s14], [sflag:$0x4], $0x2000, $0x38;
	[tilespmem:$0x6F00] =	vst v63  }
0x1e: {  	_ =	swait.ge [sflag:s12], $0x2000  }
0x1f: {  	[sflag:s12] =	ssyncset.done $0x0  }
0x20: {  	s28 =	simm.s32 $0x180;
	[sflag:s12] =	ssyncadd.s32 $0xFFFFE000  }
0x21: {  	[tilespmem:s14], [sflag:$0x1] =	stream.indirect.gather [hbm4b:s3+s13], $0x40, s28, s13, $0xb8;
	[tilespmem:$0x6F00] =	vst v63  }
0x22: {  	_ =	swait.ge [sflag:s19], $0x2000  }
0x23: {  	[sflag:s19] =	ssyncset.done $0x0  }
0x24: {  	s29 =	sadd.s32 $0x0, s10;
	[sflag:s19] =	ssyncadd.s32 $0xFFFFE000  }
0x25: {  	[hbm4b:s29+s2] =	stream.linear.scatter [tilespmem:s15], [sflag:$0x4], $0x2000, $0x38;
	[tilespmem:$0x6F00] =	vst v63  }
0x26: {  	_ =	swait.ge [sflag:s12], $0x2000  }
0x27: {  	[sflag:s12] =	ssyncset.done $0x0  }
0x28: {  	s30 =	simm.s32 $0x200;
	[sflag:s12] =	ssyncadd.s32 $0xFFFFE000  }
0x29: {  	[tilespmem:s15], [sflag:$0x2] =	stream.indirect.gather [hbm4b:s3+s13], $0x40, s30, s13, $0xb8;
	[tilespmem:$0x6F00] =	vst v63  }
0x2a: {  	_ =	swait.ge [sflag:s20], $0x2000  }
0x2b: {  	[sflag:s20] =	ssyncset.done $0x0  }
0x2c: {  	s31 =	sadd.s32 $0x0, s9;
	[sflag:s20] =	ssyncadd.s32 $0xFFFFE000  }
0x2d: {  	[hbm4b:s31+s2] =	stream.linear.scatter [tilespmem:s17], [sflag:$0x4], $0x2000, $0x38;
	[tilespmem:$0x6F00] =	vst v63  }
0x2e: {  	_ =	swait.ge [sflag:s12], $0x2000  }
0x2f: {  	s23 =	simm.s32 $0xC00;
	[sflag:s12] =	ssyncset.done $0x0  }
0x30: {  	s24 =	simm.s32 $0x400;
	s22 =	simm.s32 $0x280;
	[sflag:s12] =	ssyncadd.s32 $0xFFFFE000  }
.LBB2_2:
0x31: {  	[tilespmem:s17], [sflag:$0x3] =	stream.indirect.gather [hbm4b:s3+s13], $0x40, s22, s13, $0xb8;
	[tilespmem:$0x6F00] =	vst v63  }
0x32: {  	s25 =	smov.u32 s23;
	s22 =	smov.u32 s24  }
0x33: {  	p0 =	sne.s32 s23, $0x6000;
	s23 =	sadd.s32 $0xC00, s23;
	_ =	swait.ge [sflag:s18], $0x2000  }
0x34: {  	[sflag:s18] =	ssyncset.done $0x0  }
0x35: {  	s26 =	sadd.s32 s25, s11;
	[sflag:s18] =	ssyncadd.s32 $0xFFFFE000  }
0x36: {  	[hbm4b:s26+s2] =	stream.linear.scatter [tilespmem:s14], [sflag:$0x4], $0x2000, $0x38;
	[tilespmem:$0x6F00] =	vst v63  }
0x37: {  	_ =	swait.ge [sflag:s12], $0x2000  }
0x38: {  	[sflag:s12] =	ssyncset.done $0x0  }
0x39: {  	s26 =	sadd.s32 $0xFFFFFF00, s24;
	[sflag:s12] =	ssyncadd.s32 $0xFFFFE000  }
0x3a: {  	[tilespmem:s14], [sflag:$0x1] =	stream.indirect.gather [hbm4b:s3+s13], $0x40, s26, s13, $0xb8;
	[tilespmem:$0x6F00] =	vst v63  }
0x3b: {  	_ =	swait.ge [sflag:s19], $0x2000  }
0x3c: {  	[sflag:s19] =	ssyncset.done $0x0  }
0x3d: {  	s26 =	sadd.s32 s25, s10;
	[sflag:s19] =	ssyncadd.s32 $0xFFFFE000  }
0x3e: {  	[hbm4b:s26+s2] =	stream.linear.scatter [tilespmem:s15], [sflag:$0x4], $0x2000, $0x38;
	[tilespmem:$0x6F00] =	vst v63  }
0x3f: {  	_ =	swait.ge [sflag:s12], $0x2000  }
0x40: {  	[sflag:s12] =	ssyncset.done $0x0  }
0x41: {  	s26 =	sadd.s32 $0xFFFFFF80, s24;
	[sflag:s12] =	ssyncadd.s32 $0xFFFFE000  }
0x42: {  	[tilespmem:s15], [sflag:$0x2] =	stream.indirect.gather [hbm4b:s3+s13], $0x40, s26, s13, $0xb8;
	[tilespmem:$0x6F00] =	vst v63  }
0x43: {  	_ =	swait.ge [sflag:s20], $0x2000  }
0x44: {  	[sflag:s20] =	ssyncset.done $0x0  }
.Ltmp0:
0x45: {  	s25 =	sadd.s32 s25, s9;
	[sflag:s20] =	ssyncadd.s32 $0xFFFFE000;
	(pc) =	sbr.rel @p0 .LBB2_2-.Ltmp0, $4  }
0x46: {  	[hbm4b:s25+s2] =	stream.linear.scatter [tilespmem:s17], [sflag:$0x4], $0x2000, $0x38;
	[tilespmem:$0x6F00] =	vst v63  }
0x47: {  	_ =	swait.ge [sflag:s12], $0x2000  }
0x48: {  	[sflag:s12] =	ssyncset.done $0x0  }
0x49: {  	s24 =	sadd.s32 $0x180, s24;
	[sflag:s12] =	ssyncadd.s32 $0xFFFFE000  }
0x4a: {  	[tilespmem:s17], [sflag:$0x3] =	stream.indirect.gather [hbm4b:s3+s13], $0x40, s22, s13, $0xb8;
	[tilespmem:$0x6F00] =	vst v63  }
0x4b: {  	_ =	swait.ge [sflag:s18], $0x2000  }
0x4c: {  	[sflag:s18] =	ssyncset.done $0x0  }
0x4d: {  	[sflag:s18] =	ssyncadd.s32 $0xFFFFE000  }
0x4e: {  	[hbm4b:s6+s2] =	stream.linear.scatter [tilespmem:s14], [sflag:$0x4], $0x2000, $0x38;
	[tilespmem:$0x6F00] =	vst v63  }
0x4f: {  	_ =	swait.ge [sflag:s12], $0x2000  }
0x50: {  	[sflag:s12] =	ssyncset.done $0x0  }
0x51: {  	[sflag:s12] =	ssyncadd.s32 $0xFFFFE000  }
0x52: {  	_ =	swait.ge [sflag:s19], $0x2000  }
0x53: {  	[sflag:s19] =	ssyncset.done $0x0  }
0x54: {  	[sflag:s19] =	ssyncadd.s32 $0xFFFFE000  }
0x55: {  	[hbm4b:s7+s2] =	stream.linear.scatter [tilespmem:s15], [sflag:$0x4], $0x2000, $0x38;
	[tilespmem:$0x6F00] =	vst v63  }
0x56: {  	_ =	swait.ge [sflag:s12], $0x2000  }
0x57: {  	[sflag:s12] =	ssyncset.done $0x0  }
0x58: {  	[sflag:s12] =	ssyncadd.s32 $0xFFFFE000  }
0x59: {  	s21 =	sadd.s32 $0x1, s21;
	_ =	swait.ge [sflag:s20], $0x2000  }
0x5a: {  	p0 =	sne.s32 s21, s5;
	[sflag:s20] =	ssyncset.done $0x0  }
.Ltmp1:
0x5b: {  	[sflag:s20] =	ssyncadd.s32 $0xFFFFE000;
	(pc) =	sbr.rel @p0 .LBB2_1-.Ltmp1, $4  }
0x5c: {  	[hbm4b:s8+s2] =	stream.linear.scatter [tilespmem:s17], [sflag:$0x4], $0x2000, $0x38;
	[tilespmem:$0x6F00] =	vst v63  }
0x5d: {  	_ =	swait.ge [sflag:s12], $0x2000  }
0x5e: {  	[sflag:s12] =	ssyncset.done $0x0  }
0x5f: {  	[sflag:s12] =	ssyncadd.s32 $0xFFFFE000  }
0x60: {  	_ =	sfence.sel $0x180000  }
0x61: {  	[bflag:$0x0] =	sbarrier.arrive $0xFFFF  }
0x62: {  	p0 =	sne.s32 s0, $0x0;
	_ =	strace $0x9000004D  }
0x63: {  	s0 =	sadd.s32 @!p0 $0x100000, s1;
	[bflag:$0x2] =	sbarrier.arrive $0xFFFF  }
0x64: {  	[sflag:s0] =	ssyncadd.tile.s32 @!p0 $0x1;
	_ =	shalt  }
.Lfunc_end2:
_tile_overlayer_lowered:
.L_overlay_start_2:
0x65: {  	(tag) =	ssettag $0x2  }
0x66: {  	s0 =	rddreg [dreg:$0x0];
	s2 =	stileid.u32  }
0x67: {  	s1 =	rddreg [dreg:$0x1];
	p0 =	sne.s32 s2, $0x0  }
0x68: {  	s3 =	rddreg [dreg:$0x2];
	[bflag:$0x3] =	sbarrier.arrive $0xFFFF;
	s2 =	simm.s32 @!p0 $0x1C04  }
0x69: {  	[timem:s3], [sflag:s2] =	dma.local @!p0 [hbm:s0], s1  }
0x6a: {  	s0 =	simm.s32 @!p0 $0x4  }
0x6b: {  	_ =	swait.ge @!p0 [sflag:s0], s1  }
0x6c: {  	s1 =	ssub.s32 @!p0 $0x0, s1;
	[sflag:s0] =	ssyncset.done @!p0 $0x0  }
0x6d: {  	[sflag:s0] =	ssyncadd.s32 @!p0 s1  }
0x6e: {  	[bflag:$0x3] =	sbarrier.arrive $0xFFFF  }
0x6f: {  	_ =	shalt  }

// kernel: kernel.19.cloned.1.call-start
scs
__scs_entry_jumppad:
0x0: {  	(pc) =	sbr.rel $0x88, $3  }
0x1: {  	(tag) =	ssettag $0x0;
	lr =	simm.s32 $0x1  }
0x2: {  	[smem:$0x3F9F] =	sst lr;
	_ =	strace $0xD0000000  }
0x3: {  	_ = 	snop  }
0x4: {  	_ = 	snop  }
0x5: {  	_ = 	snop  }
0x6: {  	_ = 	snop  }
0x7: {  	_ = 	snop  }
__scs_overlays_trampoline_lowered:
0x8: {  	[smem:$0x3FAE] =	sst s0  }
0x9: {  	[smem:$0x3FAF] =	sst s1  }
0xa: {  	[smem:$0x3FB0] =	sst s2  }
0xb: {  	[smem:$0x3FB1] =	sst s3  }
0xc: {  	[smem:$0x3FB2] =	sst s4  }
0xd: {  	[smem:$0x3FB3] =	sst s5  }
0xe: {  	[smem:$0x3FB4] =	sst s6  }
0xf: {  	[smem:$0x3FB5] =	sst s7  }
0x10: {  	[smem:$0x3FB6] =	sst s8  }
0x11: {  	[smem:$0x3FB7] =	sst s9;
	s0 =	simm.s32 @!p0 $0x0  }
0x12: {  	s1 =	sld [smem:$0x3F9D];
	s0 =	simm.s32 @p0 $0x1  }
0x13: {  	[smem:$0x3FB8] =	sst s0;
	s0 =	simm.s32 @!p1 $0x0  }
0x14: {  	s2 =	sld [smem:$0x3F9C];
	s0 =	simm.s32 @p1 $0x1  }
0x15: {  	[smem:$0x3FB9] =	sst s0;
	s0 =	simm.s32 @!p2 $0x0  }
0x16: {  	s3 =	sld [smem:$0x3FDB];
	s0 =	simm.s32 @p2 $0x1  }
0x17: {  	s4 =	simm.s32 $0x1BF5;
	[smem:$0x3FBB] =	sst s0  }
0x18: {  	s0 =	sld [smem:$0x3F9E];
	_ =	swait.ge [sflag:s4], $0x0  }
0x19: {  	s7 =	sld [smem:$0x3F9F]  }
0x1a: {  	s8 =	sadd.s32 $0xFFFFE003, lr  }
0x1b: {  	s9 =	sadd.s32 $0xFFFFFEF7, lr;
	s5 =	simm.s32 $0xFFFFFFFF;
	p2 =	slt.u32 s8, $0xFFFFF086  }
0x1c: {  	p1 =	slt.u32 s9, $0xF7A;
	s5 =	simm.s32 @!p2 $0x0  }
0x1d: {  	s5 =	simm.s32 @p1 $0x1;
	p0 =	seq.s32 s7, s2  }
0x1e: {  	s7 =	smul.u32 @!p0 $0xF7A, s2;
	p2 =	seq.s32 @!p0 s5, $0x0  }
0x1f: {  	s9 =	smul.u32 $0xF7A, s1;
	s8 =	simm.s32 @!p0 $0x1BF5;
	p2 =	por !p2, p0  }
0x20: {  	[sflag:s8] =	ssyncset.s32 @!p0 $0xFFFFF086;
	s6 =	sadd.s32 @!p0 s3, s7;
	s7 =	simm.s32 @!p0 $0x108  }
0x21: {  	s3 =	sadd.s32 s3, s9;
	s6 =	sadd.s32 @!p0 $0x88, s6;
	s7 =	simm.s32 @p2 $0x1082  }
0x22: {  	[simem:s7], [sflag:s8] =	dma.local @!p0 [hbm:s6], $0xF7A  }
0x23: {  	s9 =	sor.u32 $0xD0000000, s2;
	s6 =	simm.s32 $0x108;
	_ =	swait.ge @!p0 [sflag:s8], $0x0  }
0x24: {  	s3 =	sadd.s32 $0x88, s3;
	s6 =	simm.s32 @!p1 $0x1082;
	[sflag:s4] =	ssyncset.s32 $0xFFFFF086  }
0x25: {  	[simem:s6], [sflag:s4] =	dma.local [hbm:s3], $0xF7A  }
0x26: {  	[smem:$0x3F9F] =	sst s1;
	(tag) =	ssettag s2;
	_ =	strace s9  }
0x27: {  	s1 =	sld [smem:$0x3FAF]  }
0x28: {  	s2 =	sld [smem:$0x3FB0]  }
0x29: {  	s4 =	sld [smem:$0x3FB2]  }
0x2a: {  	p0 =	seq.s32 s5, $0x0;
	s5 =	sld [smem:$0x3FB3]  }
0x2b: {  	s6 =	sld [smem:$0x3FB4]  }
0x2c: {  	s7 =	sld [smem:$0x3FB5]  }
0x2d: {  	s3 =	simm.s32 $0x108;
	s8 =	sld [smem:$0x3FB6]  }
0x2e: {  	s3 =	simm.s32 @!p0 $0x1082;
	s9 =	sld [smem:$0x3FB7]  }
0x2f: {  	lr =	sadd.s32 s0, s3;
	s0 =	sld [smem:$0x3FAE]  }
0x30: {  	s3 =	sld [smem:$0x3FB1]  }
0x31: {  	[smem:$0x3FBA] =	sst s10  }
0x32: {  	s10 =	sld [smem:$0x3FB8];
	_ =	sdelay $0x3  }
0x33: {  	p0 =	seq.s32 s10, $0x1;
	s10 =	sld [smem:$0x3FBA];
	_ =	sdelay $0x3  }
0x34: {  	[smem:$0x3FBA] =	sst s10  }
0x35: {  	s10 =	sld [smem:$0x3FB9];
	_ =	sdelay $0x3  }
0x36: {  	p1 =	seq.s32 s10, $0x1;
	s10 =	sld [smem:$0x3FBA];
	_ =	sdelay $0x3  }
0x37: {  	[smem:$0x3FBA] =	sst s10  }
0x38: {  	s10 =	sld [smem:$0x3FBB]  }
0x39: {  	_ = 	snop;
	(pc) =	sbr.ind lr, $3  }
0x3a: {  	_ = 	snop  }
0x3b: {  	_ = 	snop  }
0x3c: {  	p2 =	seq.s32 s10, $0x1;
	s10 =	sld [smem:$0x3FBA]  }
0x3d: {  	_ =	shalt  }
0x3e: {  	_ =	shalt  }
0x3f: {  	_ =	shalt  }
0x40: {  	_ =	shalt  }
0x41: {  	_ =	shalt  }
0x42: {  	_ =	shalt  }
0x43: {  	_ =	shalt  }
0x44: {  	_ =	shalt  }
0x45: {  	_ =	shalt  }
0x46: {  	_ =	shalt  }
0x47: {  	_ =	shalt  }
0x48: {  	_ =	shalt  }
0x49: {  	_ =	shalt  }
0x4a: {  	_ =	shalt  }
0x4b: {  	_ =	shalt  }
0x4c: {  	_ =	shalt  }
0x4d: {  	_ =	shalt  }
0x4e: {  	_ =	shalt  }
0x4f: {  	_ =	shalt  }
0x50: {  	_ =	shalt  }
0x51: {  	_ =	shalt  }
0x52: {  	_ =	shalt  }
0x53: {  	_ =	shalt  }
0x54: {  	_ =	shalt  }
0x55: {  	_ =	shalt  }
0x56: {  	_ =	shalt  }
0x57: {  	_ =	shalt  }
0x58: {  	_ =	shalt  }
0x59: {  	_ =	shalt  }
0x5a: {  	_ =	shalt  }
0x5b: {  	_ =	shalt  }
0x5c: {  	_ =	shalt  }
0x5d: {  	_ =	shalt  }
0x5e: {  	_ =	shalt  }
0x5f: {  	_ =	shalt  }
0x60: {  	_ =	shalt  }
0x61: {  	_ =	shalt  }
0x62: {  	_ =	shalt  }
0x63: {  	_ =	shalt  }
0x64: {  	_ =	shalt  }
0x65: {  	_ =	shalt  }
0x66: {  	_ =	shalt  }
0x67: {  	_ =	shalt  }
0x68: {  	_ =	shalt  }
0x69: {  	_ =	shalt  }
0x6a: {  	_ =	shalt  }
0x6b: {  	_ =	shalt  }
0x6c: {  	_ =	shalt  }
0x6d: {  	_ =	shalt  }
0x6e: {  	_ =	shalt  }
0x6f: {  	_ =	shalt  }
0x70: {  	_ =	shalt  }
0x71: {  	_ =	shalt  }
0x72: {  	_ =	shalt  }
0x73: {  	_ =	shalt  }
0x74: {  	_ =	shalt  }
0x75: {  	_ =	shalt  }
0x76: {  	_ =	shalt  }
0x77: {  	_ =	shalt  }
0x78: {  	_ =	shalt  }
0x79: {  	_ =	shalt  }
0x7a: {  	_ =	shalt  }
0x7b: {  	_ =	shalt  }
0x7c: {  	_ =	shalt  }
0x7d: {  	_ =	shalt  }
0x7e: {  	_ =	shalt  }
0x7f: {  	_ =	shalt  }
0x80: {  	_ =	shalt  }
0x81: {  	_ =	shalt  }
0x82: {  	_ =	shalt  }
0x83: {  	_ =	shalt  }
0x84: {  	_ =	shalt  }
0x85: {  	_ =	shalt  }
0x86: {  	_ =	shalt  }
0x87: {  	_ =	shalt  }
.Lfunc_end0:
.L_simem_size_0:
called_computation.3_lowered:
.L_overlay_start_0:
0x88: {  	s2 =	sld [smem:$0x3FD9]  }
0x89: {  	s3 =	sld [smem:$0x3FFE];
	_ =	sdelay $0x1  }
0x8a: {  	s1 =	srdreg.scid  }
0x8b: {  	s0 =	sand.u32 $0x1, s1  }
0x8c: {  	s17 =	sshll.u32 s0, $0xA;
	s2 =	sadd.s32 s3, s2  }
0x8d: {  	s2 =	sadd.s32 s2, s17  }
0x8e: {  	[smem:$0x3FC6] =	sst s2  }
0x8f: {  	_ = 	snop  }
0x90: {  	(tm) =	ssettm $0x1  }
0x91: {  	s18 =	sld [smem:$0x3FFB];
	_ =	sdelay $0x3  }
0x92: {  	_ =	strace s18  }
0x93: {  	s2 =	sld [smem:$0x3FFC];
	_ =	sdelay $0x3  }
0x94: {  	_ =	strace s2  }
0x95: {  	s2 =	sld [smem:$0x3FFD];
	_ =	sdelay $0x3  }
0x96: {  	_ =	strace s2  }
0x97: {  	_ =	strace $0x8FFFFFFF  }
0x98: {  	s19 =	sld [smem:$0x3FDB];
	_ =	sdelay $0x1  }
0x99: {  	s20 =	simm.s32 $_scs_section_size  }
0x9a: {  	s4 =	simm.s32 $_size__tile_overlayer_lowered;
	s5 =	simm.s32 $_tile_overlayer_lowered  }
0x9b: {  	s6 =	simm.s32 $0x1BFF;
	s21 =	sshll.u32 s5, $0x1;
	s3 =	sadd.s32 s20, s19  }
0x9c: {  	s22 =	simm.s32 $0x0;
	s4 =	sshll.u32 s4, $0x1;
	s5 =	sadd.s32 s21, s3  }
0x9d: {  	[timem:s22], [sflag:s6] =	dma.local [hbm:s5], s4  }
0x9e: {  	_ =	swait.ge [sflag:s6], s4  }
0x9f: {  	s4 =	ssub.s32 $0x0, s4;
	[sflag:s6] =	ssyncset.done $0x0  }
0xa0: {  	[sflag:s6] =	ssyncadd.s32 s4;
	_ =	sdelay $0x1  }
0xa1: {  	s23 =	simm.s32 $0x1B8B  }
0xa2: {  	_ =	swait.ge [sflag:s23], $0x1  }
0xa3: {  	[sflag:s23] =	ssyncset.done $0x0  }
0xa4: {  	[sflag:s23] =	ssyncadd.s32 $0xFFFFFFFF  }
0xa5: {  	s4 =	sld [smem:$0x0]  }
0xa6: {  	s5 =	sand.u32 $0xFFFFFFFE, s1  }
0xa7: {  	p0 =	sne.s32 s1, s5  }
0xa8: {  	s5 =	sshll.u32 @p0 s5, $0xE  }
0xa9: {  	s5 =	sadd.s32 @p0 $0x11B8D, s5;
	s6 =	sshll.u32 @p0 s4, $0x11  }
0xaa: {  	s5 =	sor.u32 @p0 s6, s5  }
0xab: {  	[sflag:s5] =	ssyncadd.remote.s32 @p0 $0x1;
	_ =	sdelay $0x1  }
0xac: {  	s5 =	simm.s32 @p0 $0x1B8D  }
0xad: {  	_ =	swait.eq @p0 [sflag:s5], $0x1  }
0xae: {  	[sflag:s5] =	ssyncadd.s32 @p0 $0xFFFFFFFF  }
0xaf: {  	s6 =	sshll.u32 @!p0 s1, $0xE  }
0xb0: {  	s6 =	sor.u32 @!p0 $0x4000, s6;
	s5 =	simm.s32 @!p0 $0x1B8D  }
0xb1: {  	s4 =	sshll.u32 @!p0 s4, $0x11;
	s6 =	sadd.s32 @!p0 $0x11B8D, s6;
	_ =	swait.eq @!p0 [sflag:s5], $0x1  }
0xb2: {  	s4 =	sor.u32 @!p0 s4, s6;
	[sflag:s5] =	ssyncadd.s32 @!p0 $0xFFFFFFFF  }
0xb3: {  	s25 =	simm.s32 $0x1B8E;
	s24 =	sld [smem:$0x3FFE];
	[sflag:s4] =	ssyncadd.remote.s32 @!p0 $0x1  }
0xb4: {  	s26 =	simm.s32 $execute0_lowered;
	[smem:$0x3FD2] =	sst s25  }
0xb5: {  	s5 =	sshll.u32 s26, $0x1;
	_ =	strace $0x80000049;
	[dreg:$0x1] =	wrdreg $0xFFFFFFFF  }
0xb6: {  	s28 =	simm.s32 $_size_execute0_lowered;
	s3 =	sadd.s32 s3, s5;
	[dreg:$0x0] =	wrdreg $0x0  }
0xb7: {  	s5 =	sshll.u32 s28, $0x1;
	[dreg:$0x2] =	wrdreg s3  }
0xb8: {  	[dreg:$0x3] =	wrdreg s5  }
0xb9: {  	[dreg:$0x4] =	wrdreg $0xC0  }
0xba: {  	_ =	task [dreg:s22], $0x5FFFF  }
0xbb: {  	[dreg:$0x1] =	wrdreg $0xFFFFFFFF  }
0xbc: {  	[dreg:$0x0] =	wrdreg $0x60  }
0xbd: {  	[dreg:$0x2] =	wrdreg s24  }
0xbe: {  	[dreg:$0x3] =	wrdreg $0xC  }
0xbf: {  	_ =	task.clear_ibuf [dreg:s22], $0x4FFFF;
	_ =	strace $0x90000049  }
0xc0: {  	s29 =	simm.s32 $0xC;
	_ =	strace $0x8000004B  }
0xc1: {  	_ =	swait.ge [sflag:s29], $0x1  }
0xc2: {  	[sflag:s29] =	ssyncadd.s32 $0xFFFFFFFF  }
0xc3: {  	_ =	strace $0x9000004B  }
0xc4: {  	_ =	sfence  }
0xc5: {  	s30 =	sld [smem:$0x0];
	_ =	sdelay $0x2  }
0xc6: {  	s31 =	sshll.u32 s1, $0xD;
	s1 =	sshrl.u32 s1, $0x2  }
0xc7: {  	s4 =	sand.u32 $0x4000, s31;
	s1 =	sadd.s32 s1, s30  }
0xc8: {  	s0 =	sor.u32 s4, s0;
	s1 =	sshll.u32 s1, $0x11  }
0xc9: {  	s0 =	sor.u32 s1, s0  }
0xca: {  	s0 =	sadd.s32 $0x8F2B, s0  }
0xcb: {  	[sflag:s0] =	ssyncadd.remote.s32 $0x1  }
0xcc: {  	_ =	sfence.sel $0xFFFF  }
0xcd: {  	[dreg:$0x0] =	wrdreg $0xFFFFFFFF;
	(pc) =	sbr.abs _section_cstart, $3  }
0xce: {  	[dreg:$0x1] =	wrdreg $0xFFFFFFFF  }
0xcf: {  	_ =	task.clear_ibuf [dreg:s22], $0x2FFFF;
	_ =	strace $0x9FFFFFFF  }
0xd0: {  	(tm) =	ssettm $0x7FFFFFFF  }
0xd1: {  	_ =	shalt  }
tec
execute0_lowered:
.L_overlay_start_1:
0x0: {  	(tag) =	ssettag $0x1  }
0x1: {  	s1 =	srdreg.scid  }
0x2: {  	s0 =	stileid.u32;
	s4 =	rddreg [dreg:$0x0]  }
0x3: {  	s2 =	simm.s32 $0x0;
	s15 =	simm.s32 $0x2F00;
	s16 =	simm.s32 $0x100  }
0x4: {  	s17 =	simm.s32 $0x4F00;
	s18 =	simm.s32 $0x1;
	s19 =	simm.s32 $0x2  }
0x5: {  	s20 =	simm.s32 $0x3;
	s21 =	simm.s32 $0x0;
	s9 =	smul.u32 $0x3C, s0  }
0x6: {  	s8 =	sand.u32 $0x1, s1;
	s1 =	rddreg [dreg:$0x1];
	s31 =	smul.u32 $0xF000, s0  }
0x7: {  	s3 =	sshll.u32 s0, $0x1;
	[smem:$0x7FF] =	sst s2;
	s11 =	smul.u32 $0x1E, s8  }
0x8: {  	s12 =	sadd.s32 $0x103400, s4;
	s3 =	sor.u32 s8, s3;
	s14 =	smul.u32 $0x7800, s8  }
0x9: {  	_ =	strace $0x8000004A;
	s7 =	ssub.s32 $0x2, s8;
	s5 =	smul.u32 $0x1E0, s3  }
0xa: {  	s6 =	smul.u32 $0x7800, s3;
	s3 =	sadd.s32 $0xF7800, s4;
	s10 =	sshrl.u32 s7, $0x1  }
0xb: {  	s7 =	ssub.s32 s7, s10;
	s30 =	sadd.s32 s11, s9;
	s11 =	sadd.s32 s31, s12  }
0xc: {  	s5 =	sadd.s32 s5, s4;
	s29 =	sadd.s32 s12, s6;
	s9 =	sshll.u32 s30, $0xA  }
0xd: {  	s11 =	sadd.s32 s14, s11;
	s14 =	simm.s32 $0xF00;
	s4 =	sadd.s32 $0xFF800, s5  }
0xe: {  	s5 =	smax.u32 s7, $0x1;
	s6 =	sadd.s32 $0x6C00, s29;
	s7 =	sadd.s32 $0x7000, s29  }
0xf: {  	s13 =	sadd.s32 s9, s12;
	s8 =	sadd.s32 $0x7400, s29;
	s12 =	simm.s32 $0x4  }
0x10: {  	s9 =	sadd.s32 $0x800, s13;
	s10 =	sadd.s32 $0x400, s13;
	s13 =	simm.s32 $0x80  }
.LBB2_1:
0x11: {  	[tilespmem:s2], [sflag:$0x4] =	stream.linear.gather [hbm4b:s4+s2], $0xF00, $0x38;
	[tilespmem:$0x6F00] =	vst v63  }
0x12: {  	_ =	swait.ge [sflag:s12], $0xF00  }
0x13: {  	[sflag:s12] =	ssyncset.done $0x0  }
0x14: {  	[sflag:s12] =	ssyncadd.s32 $0xFFFFF100  }
0x15: {  	[tilespmem:s14], [sflag:$0x1] =	stream.indirect.gather [hbm4b:s3+s13], $0x40, s2, s13, $0xb8;
	[tilespmem:$0x6F00] =	vst v63  }
0x16: {  	_ = 	snop  }
0x17: {  	[tilespmem:s15], [sflag:$0x2] =	stream.indirect.gather [hbm4b:s3+s13], $0x40, s13, s13, $0xb8;
	[tilespmem:$0x6F00] =	vst v63  }
0x18: {  	_ = 	snop  }
0x19: {  	[tilespmem:s17], [sflag:$0x3] =	stream.indirect.gather [hbm4b:s3+s13], $0x40, s16, s13, $0xb8;
	[tilespmem:$0x6F00] =	vst v63  }
0x1a: {  	_ =	swait.ge [sflag:s18], $0x2000  }
0x1b: {  	[sflag:s18] =	ssyncset.done $0x0  }
0x1c: {  	s22 =	sadd.s32 $0x0, s11;
	[sflag:s18] =	ssyncadd.s32 $0xFFFFE000  }
0x1d: {  	[hbm4b:s22+s2] =	stream.linear.scatter [tilespmem:s14], [sflag:$0x4], $0x2000, $0x38;
	[tilespmem:$0x6F00] =	vst v63  }
0x1e: {  	_ =	swait.ge [sflag:s12], $0x2000  }
0x1f: {  	[sflag:s12] =	ssyncset.done $0x0  }
0x20: {  	s28 =	simm.s32 $0x180;
	[sflag:s12] =	ssyncadd.s32 $0xFFFFE000  }
0x21: {  	[tilespmem:s14], [sflag:$0x1] =	stream.indirect.gather [hbm4b:s3+s13], $0x40, s28, s13, $0xb8;
	[tilespmem:$0x6F00] =	vst v63  }
0x22: {  	_ =	swait.ge [sflag:s19], $0x2000  }
0x23: {  	[sflag:s19] =	ssyncset.done $0x0  }
0x24: {  	s29 =	sadd.s32 $0x0, s10;
	[sflag:s19] =	ssyncadd.s32 $0xFFFFE000  }
0x25: {  	[hbm4b:s29+s2] =	stream.linear.scatter [tilespmem:s15], [sflag:$0x4], $0x2000, $0x38;
	[tilespmem:$0x6F00] =	vst v63  }
0x26: {  	_ =	swait.ge [sflag:s12], $0x2000  }
0x27: {  	[sflag:s12] =	ssyncset.done $0x0  }
0x28: {  	s30 =	simm.s32 $0x200;
	[sflag:s12] =	ssyncadd.s32 $0xFFFFE000  }
0x29: {  	[tilespmem:s15], [sflag:$0x2] =	stream.indirect.gather [hbm4b:s3+s13], $0x40, s30, s13, $0xb8;
	[tilespmem:$0x6F00] =	vst v63  }
0x2a: {  	_ =	swait.ge [sflag:s20], $0x2000  }
0x2b: {  	[sflag:s20] =	ssyncset.done $0x0  }
0x2c: {  	s31 =	sadd.s32 $0x0, s9;
	[sflag:s20] =	ssyncadd.s32 $0xFFFFE000  }
0x2d: {  	[hbm4b:s31+s2] =	stream.linear.scatter [tilespmem:s17], [sflag:$0x4], $0x2000, $0x38;
	[tilespmem:$0x6F00] =	vst v63  }
0x2e: {  	_ =	swait.ge [sflag:s12], $0x2000  }
0x2f: {  	s23 =	simm.s32 $0xC00;
	[sflag:s12] =	ssyncset.done $0x0  }
0x30: {  	s24 =	simm.s32 $0x400;
	s22 =	simm.s32 $0x280;
	[sflag:s12] =	ssyncadd.s32 $0xFFFFE000  }
.LBB2_2:
0x31: {  	[tilespmem:s17], [sflag:$0x3] =	stream.indirect.gather [hbm4b:s3+s13], $0x40, s22, s13, $0xb8;
	[tilespmem:$0x6F00] =	vst v63  }
0x32: {  	s25 =	smov.u32 s23;
	s22 =	smov.u32 s24  }
0x33: {  	p0 =	sne.s32 s23, $0x6000;
	s23 =	sadd.s32 $0xC00, s23;
	_ =	swait.ge [sflag:s18], $0x2000  }
0x34: {  	[sflag:s18] =	ssyncset.done $0x0  }
0x35: {  	s26 =	sadd.s32 s25, s11;
	[sflag:s18] =	ssyncadd.s32 $0xFFFFE000  }
0x36: {  	[hbm4b:s26+s2] =	stream.linear.scatter [tilespmem:s14], [sflag:$0x4], $0x2000, $0x38;
	[tilespmem:$0x6F00] =	vst v63  }
0x37: {  	_ =	swait.ge [sflag:s12], $0x2000  }
0x38: {  	[sflag:s12] =	ssyncset.done $0x0  }
0x39: {  	s26 =	sadd.s32 $0xFFFFFF00, s24;
	[sflag:s12] =	ssyncadd.s32 $0xFFFFE000  }
0x3a: {  	[tilespmem:s14], [sflag:$0x1] =	stream.indirect.gather [hbm4b:s3+s13], $0x40, s26, s13, $0xb8;
	[tilespmem:$0x6F00] =	vst v63  }
0x3b: {  	_ =	swait.ge [sflag:s19], $0x2000  }
0x3c: {  	[sflag:s19] =	ssyncset.done $0x0  }
0x3d: {  	s26 =	sadd.s32 s25, s10;
	[sflag:s19] =	ssyncadd.s32 $0xFFFFE000  }
0x3e: {  	[hbm4b:s26+s2] =	stream.linear.scatter [tilespmem:s15], [sflag:$0x4], $0x2000, $0x38;
	[tilespmem:$0x6F00] =	vst v63  }
0x3f: {  	_ =	swait.ge [sflag:s12], $0x2000  }
0x40: {  	[sflag:s12] =	ssyncset.done $0x0  }
0x41: {  	s26 =	sadd.s32 $0xFFFFFF80, s24;
	[sflag:s12] =	ssyncadd.s32 $0xFFFFE000  }
0x42: {  	[tilespmem:s15], [sflag:$0x2] =	stream.indirect.gather [hbm4b:s3+s13], $0x40, s26, s13, $0xb8;
	[tilespmem:$0x6F00] =	vst v63  }
0x43: {  	_ =	swait.ge [sflag:s20], $0x2000  }
0x44: {  	[sflag:s20] =	ssyncset.done $0x0  }
.Ltmp0:
0x45: {  	s25 =	sadd.s32 s25, s9;
	[sflag:s20] =	ssyncadd.s32 $0xFFFFE000;
	(pc) =	sbr.rel @p0 .LBB2_2-.Ltmp0, $4  }
0x46: {  	[hbm4b:s25+s2] =	stream.linear.scatter [tilespmem:s17], [sflag:$0x4], $0x2000, $0x38;
	[tilespmem:$0x6F00] =	vst v63  }
0x47: {  	_ =	swait.ge [sflag:s12], $0x2000  }
0x48: {  	[sflag:s12] =	ssyncset.done $0x0  }
0x49: {  	s24 =	sadd.s32 $0x180, s24;
	[sflag:s12] =	ssyncadd.s32 $0xFFFFE000  }
0x4a: {  	[tilespmem:s17], [sflag:$0x3] =	stream.indirect.gather [hbm4b:s3+s13], $0x40, s22, s13, $0xb8;
	[tilespmem:$0x6F00] =	vst v63  }
0x4b: {  	_ =	swait.ge [sflag:s18], $0x2000  }
0x4c: {  	[sflag:s18] =	ssyncset.done $0x0  }
0x4d: {  	[sflag:s18] =	ssyncadd.s32 $0xFFFFE000  }
0x4e: {  	[hbm4b:s6+s2] =	stream.linear.scatter [tilespmem:s14], [sflag:$0x4], $0x2000, $0x38;
	[tilespmem:$0x6F00] =	vst v63  }
0x4f: {  	_ =	swait.ge [sflag:s12], $0x2000  }
0x50: {  	[sflag:s12] =	ssyncset.done $0x0  }
0x51: {  	[sflag:s12] =	ssyncadd.s32 $0xFFFFE000  }
0x52: {  	_ =	swait.ge [sflag:s19], $0x2000  }
0x53: {  	[sflag:s19] =	ssyncset.done $0x0  }
0x54: {  	[sflag:s19] =	ssyncadd.s32 $0xFFFFE000  }
0x55: {  	[hbm4b:s7+s2] =	stream.linear.scatter [tilespmem:s15], [sflag:$0x4], $0x2000, $0x38;
	[tilespmem:$0x6F00] =	vst v63  }
0x56: {  	_ =	swait.ge [sflag:s12], $0x2000  }
0x57: {  	[sflag:s12] =	ssyncset.done $0x0  }
0x58: {  	[sflag:s12] =	ssyncadd.s32 $0xFFFFE000  }
0x59: {  	s21 =	sadd.s32 $0x1, s21;
	_ =	swait.ge [sflag:s20], $0x2000  }
0x5a: {  	p0 =	sne.s32 s21, s5;
	[sflag:s20] =	ssyncset.done $0x0  }
.Ltmp1:
0x5b: {  	[sflag:s20] =	ssyncadd.s32 $0xFFFFE000;
	(pc) =	sbr.rel @p0 .LBB2_1-.Ltmp1, $4  }
0x5c: {  	[hbm4b:s8+s2] =	stream.linear.scatter [tilespmem:s17], [sflag:$0x4], $0x2000, $0x38;
	[tilespmem:$0x6F00] =	vst v63  }
0x5d: {  	_ =	swait.ge [sflag:s12], $0x2000  }
0x5e: {  	[sflag:s12] =	ssyncset.done $0x0  }
0x5f: {  	[sflag:s12] =	ssyncadd.s32 $0xFFFFE000  }
0x60: {  	_ =	sfence.sel $0x180000  }
0x61: {  	[bflag:$0x0] =	sbarrier.arrive $0xFFFF  }
0x62: {  	p0 =	sne.s32 s0, $0x0;
	_ =	strace $0x9000004A  }
0x63: {  	s0 =	sadd.s32 @!p0 $0x100000, s1;
	[bflag:$0x2] =	sbarrier.arrive $0xFFFF  }
0x64: {  	[sflag:s0] =	ssyncadd.tile.s32 @!p0 $0x1;
	_ =	shalt  }
.Lfunc_end2:
_tile_overlayer_lowered:
.L_overlay_start_2:
0x65: {  	(tag) =	ssettag $0x2  }
0x66: {  	s0 =	rddreg [dreg:$0x0];
	s2 =	stileid.u32  }
0x67: {  	s1 =	rddreg [dreg:$0x1];
	p0 =	sne.s32 s2, $0x0  }
0x68: {  	s3 =	rddreg [dreg:$0x2];
	[bflag:$0x3] =	sbarrier.arrive $0xFFFF;
	s2 =	simm.s32 @!p0 $0x1C04  }
0x69: {  	[timem:s3], [sflag:s2] =	dma.local @!p0 [hbm:s0], s1  }
0x6a: {  	s0 =	simm.s32 @!p0 $0x4  }
0x6b: {  	_ =	swait.ge @!p0 [sflag:s0], s1  }
0x6c: {  	s1 =	ssub.s32 @!p0 $0x0, s1;
	[sflag:s0] =	ssyncset.done @!p0 $0x0  }
0x6d: {  	[sflag:s0] =	ssyncadd.s32 @!p0 s1  }
0x6e: {  	[bflag:$0x3] =	sbarrier.arrive $0xFFFF  }
0x6f: {  	_ =	shalt  }

</sc_bundles>
